<compile_context>
chip_gen: v7x
topology: tpu7x:2x2x1
jax: 0.10.2.dev20260603
libtpu: 0.0.44.dev20260713+nightly
codegen_flags: <defaults>
</compile_context>

<pallas_src>
import dataclasses
import functools

import jax
import jax.numpy as jnp
import numpy as np
from jax import lax
from jax.experimental import pallas as pl
from jax.experimental.pallas import tpu as pltpu
from jax.experimental.pallas import tpu_sc as plsc

_NUM_BINS = 15
_NUM_CLASSES = 4
_NW = 3
_SMOOTH = 1e-8
_B = 8
_H = 512
_W = 512
_HW = _H * _W
_NPIX = _B * _HW
_NOUT = _NPIX * _NUM_CLASSES

_NUM_WORKERS = 32
_PER_W = _NPIX // _NUM_WORKERS
_CHUNK = 4096
_NCHUNK = _PER_W // _CHUNK
_TAB_PAD = 136


def _code_body(x_ref, o_ref):
    f32 = jnp.float32
    xs = [x_ref[0, c] for c in range(_NUM_CLASSES)]
    m = jnp.maximum(jnp.maximum(xs[0], xs[1]), jnp.maximum(xs[2], xs[3]))
    es = [jnp.exp(x - m) for x in xs]
    s = (es[0] + es[1]) + (es[2] + es[3])
    ps = [e / s for e in es]
    p0, p1, p2, p3 = ps
    bm = [
        (p0 >= p1) & (p0 >= p2) & (p0 >= p3),
        (p1 > p0) & (p1 >= p2) & (p1 >= p3),
        (p2 > p0) & (p2 > p1) & (p2 >= p3),
        (p3 > p0) & (p3 > p1) & (p3 > p2),
    ]
    width = np.float32(1.0 / _NUM_BINS)
    zc = jnp.zeros((_H, 1), f32)
    zr = jnp.zeros((1, _W), f32)
    packed = None
    for c in range(_NUM_CLASSES):
        bf = jnp.where(bm[c], f32(1.0), f32(0.0))
        rs = bf + jnp.concatenate([bf[:, 1:], zc], axis=1) \
                + jnp.concatenate([zc, bf[:, :-1]], axis=1)
        cs = rs + jnp.concatenate([rs[1:, :], zr], axis=0) \
                + jnp.concatenate([zr, rs[:-1, :]], axis=0)
        cnt = (cs - bf).astype(jnp.int32)
        bin_i = jnp.clip(jnp.floor(ps[c] / width).astype(jnp.int32), 0,
                         _NUM_BINS - 1)
        code = cnt * _NUM_BINS + bin_i
        shifted = code if c == 0 else lax.shift_left(code, jnp.int32(8 * c))
        packed = shifted if packed is None else (packed | shifted)
    o_ref[0] = packed


def _sc_body(packed_hbm, tab_hbm, out_hbm, in_v, t0, t1, t2, t3,
             ov0, ov1, ov2, ov3):
    f32 = jnp.float32
    wid = lax.axis_index("s") * 2 + lax.axis_index("c")
    base = wid * _PER_W
    b = wid // _NUM_CLASSES
    q = wid % _NUM_CLASSES
    pltpu.sync_copy(tab_hbm.at[0], t0)
    pltpu.sync_copy(tab_hbm.at[1], t1)
    pltpu.sync_copy(tab_hbm.at[2], t2)
    pltpu.sync_copy(tab_hbm.at[3], t3)
    tabs = (t0, t1, t2, t3)
    ovs = (ov0, ov1, ov2, ov3)
    mask8 = jnp.full((16,), 255, jnp.int32)

    @pl.loop(0, _NCHUNK)
    def _chunk(k):
        src = base + k * _CHUNK
        pltpu.sync_copy(packed_hbm.at[pl.ds(src, _CHUNK)], in_v)

        @pl.loop(0, _CHUNK // 16)
        def _vec(i):
            off = i * 16
            v = in_v[pl.ds(off, 16)]
            c0 = v & mask8
            c1 = lax.shift_right_logical(v, jnp.int32(8)) & mask8
            c2 = lax.shift_right_logical(v, jnp.int32(16)) & mask8
            c3 = lax.shift_right_logical(v, jnp.int32(24))
            g0 = plsc.load_gather(t0, [c0])
            g1 = plsc.load_gather(t1, [c1])
            g2 = plsc.load_gather(t2, [c2])
            g3 = plsc.load_gather(t3, [c3])
            sv = (g0 + g1) + (g2 + g3)
            sv = jnp.where(sv == f32(0.0), f32(_SMOOTH), sv)
            r = f32(1.0) / sv
            ov0[pl.ds(off, 16)] = g0 * r
            ov1[pl.ds(off, 16)] = g1 * r
            ov2[pl.ds(off, 16)] = g2 * r
            ov3[pl.ds(off, 16)] = g3 * r

        hw_off = q * _PER_W + k * _CHUNK
        for c in range(_NUM_CLASSES):
            dst = (b * _NUM_CLASSES + c) * _HW + hw_off
            pltpu.sync_copy(ovs[c], out_hbm.at[pl.ds(dst, _CHUNK)])


def kernel(logits, val_freqs):
    packed = pl.pallas_call(
        _code_body,
        grid=(_B,),
        in_specs=[pl.BlockSpec((1, _NUM_CLASSES, _H, _W),
                               lambda i: (i, 0, 0, 0))],
        out_specs=pl.BlockSpec((1, _H, _W), lambda i: (i, 0, 0)),
        out_shape=jax.ShapeDtypeStruct((_B, _H, _W), jnp.int32),
    )(logits)
    packed_flat = packed.reshape(_NPIX)

    tab = jnp.zeros((_NUM_CLASSES, _TAB_PAD), jnp.float32)
    tab = tab.at[:, : _NW * _NW * _NUM_BINS].set(
        val_freqs.reshape(_NUM_CLASSES, _NW * _NW * _NUM_BINS))

    mesh = plsc.VectorSubcoreMesh(core_axis_name="c", subcore_axis_name="s")
    cp = pltpu.CompilerParams()
    if "needs_layout_passes" in pltpu.CompilerParams.__dataclass_fields__:
        cp = dataclasses.replace(cp, needs_layout_passes=False)
    sc = pl.kernel(
        _sc_body,
        out_type=jax.ShapeDtypeStruct((_NOUT,), jnp.float32),
        mesh=mesh,
        scratch_types=[
            pltpu.VMEM((_CHUNK,), jnp.int32),
            pltpu.VMEM((_TAB_PAD,), jnp.float32),
            pltpu.VMEM((_TAB_PAD,), jnp.float32),
            pltpu.VMEM((_TAB_PAD,), jnp.float32),
            pltpu.VMEM((_TAB_PAD,), jnp.float32),
            pltpu.VMEM((_CHUNK,), jnp.float32),
            pltpu.VMEM((_CHUNK,), jnp.float32),
            pltpu.VMEM((_CHUNK,), jnp.float32),
            pltpu.VMEM((_CHUNK,), jnp.float32),
        ],
        compiler_params=cp,
    )
    out_flat = sc(packed_flat, tab)
    return out_flat.reshape(_B, _NUM_CLASSES, _H, _W)

# --- scband reference (transcript-rebuilt; emitter-appended) ---
"""Pipeline reference for scband-nectar-binning-28080496181346 (READ-ONLY COPY).

The authoritative reference and input builder live on the scoring server;
editing this copy changes nothing except your own understanding.
"""

import jax, jax.numpy as jnp
import numpy as np

NUM_BINS = 15
NUM_CLASSES = 4
NEIGHBORHOOD_WIDTH = 3
SMOOTHING = 1e-8


def _find_bins(conf, num_bins):
    # uniform bins over [0,1]: bin index via floor(conf / width), clipped
    width = 1.0 / num_bins
    idx = jnp.floor(conf / width).astype(jnp.int32)
    return jnp.clip(idx, 0, num_bins - 1)


def _agg_neighbors_binary(lab_map, nw):
    # count of neighbors (excluding center) equal to 1 in nw x nw window, zero-padded
    B, H, W = lab_map.shape
    x = lab_map[:, None, :, :].astype(jnp.float32)
    kernel = jnp.ones((1, 1, nw, nw), dtype=jnp.float32)
    conv = jax.lax.conv_general_dilated(x, kernel, (1, 1), 'SAME')[:, 0]
    count = conv - lab_map.astype(jnp.float32)
    return jnp.clip(jnp.round(count).astype(jnp.int32), 0, nw * nw - 1)


def setup_inputs(seed: int = 0) -> dict:
    key = jax.random.key(seed)
    k1, k2 = jax.random.split(key)
    logits = jax.random.normal(k1, (8, NUM_CLASSES, 512, 512), dtype=jnp.float32)
    # calibration frequency table: [num_classes, neighborhood_width**2, num_bins]
    val_freqs = jax.random.uniform(k2, (NUM_CLASSES, NEIGHBORHOOD_WIDTH ** 2, NUM_BINS), dtype=jnp.float32)
    return {"logits": logits, "val_freqs": val_freqs}


def reference(logits, val_freqs):
    C = NUM_CLASSES
    nw = NEIGHBORHOOD_WIDTH
    prob_tensor = jax.nn.softmax(logits, axis=1)
    y_hard = jnp.argmax(prob_tensor, axis=1)  # [B,H,W]
    calibrated = []
    for lab_idx in range(C):
        lab_prob_map = prob_tensor[:, lab_idx, :, :]
        lab_prob_bin_map = _find_bins(lab_prob_map, NUM_BINS)  # [B,H,W] int
        lab_binary = (y_hard == lab_idx).astype(jnp.int32)
        disc_neighbor_agg_map = _agg_neighbors_binary(lab_binary, nw)  # [B,H,W] in [0, nw*nw)
        # equivalent to looping over nn_idx and masking: direct 2D gather
        vf = val_freqs[lab_idx]  # [nw*nw, num_bins]
        calibrated_lab_prob_map = vf[disc_neighbor_agg_map, lab_prob_bin_map]
        calibrated.append(calibrated_lab_prob_map)
    prob_cal = jnp.stack(calibrated, axis=1)  # [B,C,H,W]
    sum_tensor = jnp.sum(prob_cal, axis=1, keepdims=True)
    sum_tensor = jnp.where(sum_tensor == 0, SMOOTHING, sum_tensor)
    return prob_cal / sum_tensor

if __name__ == "__main__":
    import jax
    _d = setup_inputs()
    print(jax.jit(kernel)(*tuple(_d.values())))

</pallas_src>

<mosaic_0001>
#map = affine_map<(d0, d1) -> (0)>
#map1 = affine_map<(d0, d1) -> (0, 0)>
module attributes {stable_mosaic.version = 14 : i64} {
  func.func @_sc_body(%arg0: i32, %arg1: i32, %arg2: memref<2097152xi32, #tpu.memory_space<hbm>>, %arg3: memref<4x136xf32, #tpu.memory_space<hbm>>, %arg4: memref<8388608xf32, #tpu.memory_space<hbm>>, %arg5: memref<4096xi32, #tpu.memory_space<vmem>>, %arg6: memref<136xf32, #tpu.memory_space<vmem>>, %arg7: memref<136xf32, #tpu.memory_space<vmem>>, %arg8: memref<136xf32, #tpu.memory_space<vmem>>, %arg9: memref<136xf32, #tpu.memory_space<vmem>>, %arg10: memref<4096xf32, #tpu.memory_space<vmem>>, %arg11: memref<4096xf32, #tpu.memory_space<vmem>>, %arg12: memref<4096xf32, #tpu.memory_space<vmem>>, %arg13: memref<4096xf32, #tpu.memory_space<vmem>>) attributes {dimension_semantics = [#tpu.dimension_semantics<core_parallel>, #tpu.dimension_semantics<subcore_parallel>], iteration_bounds = array<i64: 2, 16>, scalar_prefetch = 0 : i64, scratch_operands = 9 : i64, tpu.core_type = #tpu.core_type<sc_vector_subcore>, window_params = [{transform_indices = #map}, {transform_indices = #map1}, {transform_indices = #map}]} {
    %mul3A = arith.constant 2 : i32
    %mul3A_0 = arith.muli %arg1, %mul3A : i32
    %add3A = arith.addi %mul3A_0, %arg0 : i32
    %mul3A_1 = arith.constant 65536 : i32
    %mul3A_2 = arith.muli %add3A, %mul3A_1 : i32
    %jit3A = arith.constant 4 : i32
    %div3A = arith.divsi %add3A, %jit3A : i32
    %sign3A = arith.constant 0 : i32
    %sign3A_3 = arith.cmpi sgt, %add3A, %sign3A : i32
    %sign3A_4 = arith.extui %sign3A_3 : i1 to i32
    %sign3A_5 = arith.constant 0 : i32
    %sign3A_6 = arith.cmpi slt, %add3A, %sign3A_5 : i32
    %sign3A_7 = arith.extui %sign3A_6 : i1 to i32
    %sign3A_8 = arith.subi %sign3A_4, %sign3A_7 : i32
    %sign3A_9 = arith.constant 0 : i32
    %sign3A_10 = arith.cmpi sgt, %jit3A, %sign3A_9 : i32
    %sign3A_11 = arith.extui %sign3A_10 : i1 to i32
    %sign3A_12 = arith.constant 0 : i32
    %sign3A_13 = arith.cmpi slt, %jit3A, %sign3A_12 : i32
    %sign3A_14 = arith.extui %sign3A_13 : i1 to i32
    %sign3A_15 = arith.subi %sign3A_11, %sign3A_14 : i32
    %ne3A = arith.cmpi ne, %sign3A_8, %sign3A_15 : i32
    %rem3A = arith.remsi %add3A, %jit3A : i32
    %ne3A_16 = arith.constant 0 : i32
    %ne3A_17 = arith.cmpi ne, %rem3A, %ne3A_16 : i32
    %and3A = arith.andi %ne3A, %ne3A_17 : i1
    %sub3A = arith.constant 1 : i32
    %sub3A_18 = arith.subi %div3A, %sub3A : i32
    %select_n3A = arith.select %and3A, %sub3A_18, %div3A : i32
    %jit3A_19 = arith.constant 4 : i32
    %eq3A = arith.constant 0 : i32
    %eq3A_20 = arith.cmpi eq, %jit3A_19, %eq3A : i32
    %jit3A_21 = arith.constant 1 : i32
    %select_n3A_22 = arith.select %eq3A_20, %jit3A_21, %jit3A_19 : i32
    %rem3A_23 = arith.remsi %add3A, %select_n3A_22 : i32
    %ne3A_24 = arith.constant 0 : i32
    %ne3A_25 = arith.cmpi ne, %rem3A_23, %ne3A_24 : i32
    %lt3A = arith.constant 0 : i32
    %lt3A_26 = arith.cmpi slt, %rem3A_23, %lt3A : i32
    %lt3A_27 = arith.constant 0 : i32
    %lt3A_28 = arith.cmpi slt, %select_n3A_22, %lt3A_27 : i32
    %ne3A_29 = arith.xori %lt3A_26, %lt3A_28 : i1
    %and3A_30 = arith.andi %ne3A_29, %ne3A_25 : i1
    %add3A_31 = arith.addi %rem3A_23, %select_n3A_22 : i32
    %select_n3A_32 = arith.select %and3A_30, %add3A_31, %rem3A_23 : i32
    %run_scoped3A = arith.constant 0 : i32
    "tpu.region"() ({
      %run_scoped3A_41 = tpu.sem_alloc : memref<!tpu.dma_semaphore, #tpu.memory_space<semaphore_mem>>
      %dma_start3A = arith.constant 0 : i32
      %dma_start3A_42 = tpu.memref_slice %arg3[%run_scoped3A, %dma_start3A] : memref<4x136xf32, #tpu.memory_space<hbm>> -> memref<1x136xf32, #tpu.memory_space<hbm>>
      %dma_start3A_43 = tpu.memref_squeeze %dma_start3A_42 : memref<1x136xf32, #tpu.memory_space<hbm>> -> memref<136xf32, #tpu.memory_space<hbm>>
      %dma_start3A_44 = arith.constant 0 : i32
      %dma_start3A_45 = tpu.memref_slice %arg3[%run_scoped3A, %dma_start3A_44] : memref<4x136xf32, #tpu.memory_space<hbm>> -> memref<1x136xf32, #tpu.memory_space<hbm>>
      %dma_start3A_46 = tpu.memref_squeeze %dma_start3A_45 : memref<1x136xf32, #tpu.memory_space<hbm>> -> memref<136xf32, #tpu.memory_space<hbm>>
      tpu.enqueue_dma source(%dma_start3A_46 : memref<136xf32, #tpu.memory_space<hbm>>) target(%arg6 : memref<136xf32, #tpu.memory_space<vmem>>) target_semaphore(%run_scoped3A_41 : memref<!tpu.dma_semaphore, #tpu.memory_space<semaphore_mem>>)
      %dma_wait3A = arith.constant 0 : i32
      %dma_wait3A_47 = tpu.memref_slice %arg3[%run_scoped3A, %dma_wait3A] : memref<4x136xf32, #tpu.memory_space<hbm>> -> memref<1x136xf32, #tpu.memory_space<hbm>>
      %dma_wait3A_48 = tpu.memref_squeeze %dma_wait3A_47 : memref<1x136xf32, #tpu.memory_space<hbm>> -> memref<136xf32, #tpu.memory_space<hbm>>
      %dma_wait3A_49 = arith.constant 0 : i32
      %dma_wait3A_50 = tpu.memref_slice %arg3[%run_scoped3A, %dma_wait3A_49] : memref<4x136xf32, #tpu.memory_space<hbm>> -> memref<1x136xf32, #tpu.memory_space<hbm>>
      %dma_wait3A_51 = tpu.memref_squeeze %dma_wait3A_50 : memref<1x136xf32, #tpu.memory_space<hbm>> -> memref<136xf32, #tpu.memory_space<hbm>>
      tpu.wait_dma2 semaphore(%run_scoped3A_41 : memref<!tpu.dma_semaphore, #tpu.memory_space<semaphore_mem>>) src(%dma_wait3A_51 : memref<136xf32, #tpu.memory_space<hbm>>) dst(%arg6 : memref<136xf32, #tpu.memory_space<vmem>>)
      tpu.yield
    }) : () -> ()
    %run_scoped3A_33 = arith.constant 1 : i32
    "tpu.region"() ({
      %run_scoped3A_41 = tpu.sem_alloc : memref<!tpu.dma_semaphore, #tpu.memory_space<semaphore_mem>>
      %dma_start3A = arith.constant 0 : i32
      %dma_start3A_42 = tpu.memref_slice %arg3[%run_scoped3A_33, %dma_start3A] : memref<4x136xf32, #tpu.memory_space<hbm>> -> memref<1x136xf32, #tpu.memory_space<hbm>>
      %dma_start3A_43 = tpu.memref_squeeze %dma_start3A_42 : memref<1x136xf32, #tpu.memory_space<hbm>> -> memref<136xf32, #tpu.memory_space<hbm>>
      %dma_start3A_44 = arith.constant 0 : i32
      %dma_start3A_45 = tpu.memref_slice %arg3[%run_scoped3A_33, %dma_start3A_44] : memref<4x136xf32, #tpu.memory_space<hbm>> -> memref<1x136xf32, #tpu.memory_space<hbm>>
      %dma_start3A_46 = tpu.memref_squeeze %dma_start3A_45 : memref<1x136xf32, #tpu.memory_space<hbm>> -> memref<136xf32, #tpu.memory_space<hbm>>
      tpu.enqueue_dma source(%dma_start3A_46 : memref<136xf32, #tpu.memory_space<hbm>>) target(%arg7 : memref<136xf32, #tpu.memory_space<vmem>>) target_semaphore(%run_scoped3A_41 : memref<!tpu.dma_semaphore, #tpu.memory_space<semaphore_mem>>)
      %dma_wait3A = arith.constant 0 : i32
      %dma_wait3A_47 = tpu.memref_slice %arg3[%run_scoped3A_33, %dma_wait3A] : memref<4x136xf32, #tpu.memory_space<hbm>> -> memref<1x136xf32, #tpu.memory_space<hbm>>
      %dma_wait3A_48 = tpu.memref_squeeze %dma_wait3A_47 : memref<1x136xf32, #tpu.memory_space<hbm>> -> memref<136xf32, #tpu.memory_space<hbm>>
      %dma_wait3A_49 = arith.constant 0 : i32
      %dma_wait3A_50 = tpu.memref_slice %arg3[%run_scoped3A_33, %dma_wait3A_49] : memref<4x136xf32, #tpu.memory_space<hbm>> -> memref<1x136xf32, #tpu.memory_space<hbm>>
      %dma_wait3A_51 = tpu.memref_squeeze %dma_wait3A_50 : memref<1x136xf32, #tpu.memory_space<hbm>> -> memref<136xf32, #tpu.memory_space<hbm>>
      tpu.wait_dma2 semaphore(%run_scoped3A_41 : memref<!tpu.dma_semaphore, #tpu.memory_space<semaphore_mem>>) src(%dma_wait3A_51 : memref<136xf32, #tpu.memory_space<hbm>>) dst(%arg7 : memref<136xf32, #tpu.memory_space<vmem>>)
      tpu.yield
    }) : () -> ()
    %run_scoped3A_34 = arith.constant 2 : i32
    "tpu.region"() ({
      %run_scoped3A_41 = tpu.sem_alloc : memref<!tpu.dma_semaphore, #tpu.memory_space<semaphore_mem>>
      %dma_start3A = arith.constant 0 : i32
      %dma_start3A_42 = tpu.memref_slice %arg3[%run_scoped3A_34, %dma_start3A] : memref<4x136xf32, #tpu.memory_space<hbm>> -> memref<1x136xf32, #tpu.memory_space<hbm>>
      %dma_start3A_43 = tpu.memref_squeeze %dma_start3A_42 : memref<1x136xf32, #tpu.memory_space<hbm>> -> memref<136xf32, #tpu.memory_space<hbm>>
      %dma_start3A_44 = arith.constant 0 : i32
      %dma_start3A_45 = tpu.memref_slice %arg3[%run_scoped3A_34, %dma_start3A_44] : memref<4x136xf32, #tpu.memory_space<hbm>> -> memref<1x136xf32, #tpu.memory_space<hbm>>
      %dma_start3A_46 = tpu.memref_squeeze %dma_start3A_45 : memref<1x136xf32, #tpu.memory_space<hbm>> -> memref<136xf32, #tpu.memory_space<hbm>>
      tpu.enqueue_dma source(%dma_start3A_46 : memref<136xf32, #tpu.memory_space<hbm>>) target(%arg8 : memref<136xf32, #tpu.memory_space<vmem>>) target_semaphore(%run_scoped3A_41 : memref<!tpu.dma_semaphore, #tpu.memory_space<semaphore_mem>>)
      %dma_wait3A = arith.constant 0 : i32
      %dma_wait3A_47 = tpu.memref_slice %arg3[%run_scoped3A_34, %dma_wait3A] : memref<4x136xf32, #tpu.memory_space<hbm>> -> memref<1x136xf32, #tpu.memory_space<hbm>>
      %dma_wait3A_48 = tpu.memref_squeeze %dma_wait3A_47 : memref<1x136xf32, #tpu.memory_space<hbm>> -> memref<136xf32, #tpu.memory_space<hbm>>
      %dma_wait3A_49 = arith.constant 0 : i32
      %dma_wait3A_50 = tpu.memref_slice %arg3[%run_scoped3A_34, %dma_wait3A_49] : memref<4x136xf32, #tpu.memory_space<hbm>> -> memref<1x136xf32, #tpu.memory_space<hbm>>
      %dma_wait3A_51 = tpu.memref_squeeze %dma_wait3A_50 : memref<1x136xf32, #tpu.memory_space<hbm>> -> memref<136xf32, #tpu.memory_space<hbm>>
      tpu.wait_dma2 semaphore(%run_scoped3A_41 : memref<!tpu.dma_semaphore, #tpu.memory_space<semaphore_mem>>) src(%dma_wait3A_51 : memref<136xf32, #tpu.memory_space<hbm>>) dst(%arg8 : memref<136xf32, #tpu.memory_space<vmem>>)
      tpu.yield
    }) : () -> ()
    %run_scoped3A_35 = arith.constant 3 : i32
    "tpu.region"() ({
      %run_scoped3A_41 = tpu.sem_alloc : memref<!tpu.dma_semaphore, #tpu.memory_space<semaphore_mem>>
      %dma_start3A = arith.constant 0 : i32
      %dma_start3A_42 = tpu.memref_slice %arg3[%run_scoped3A_35, %dma_start3A] : memref<4x136xf32, #tpu.memory_space<hbm>> -> memref<1x136xf32, #tpu.memory_space<hbm>>
      %dma_start3A_43 = tpu.memref_squeeze %dma_start3A_42 : memref<1x136xf32, #tpu.memory_space<hbm>> -> memref<136xf32, #tpu.memory_space<hbm>>
      %dma_start3A_44 = arith.constant 0 : i32
      %dma_start3A_45 = tpu.memref_slice %arg3[%run_scoped3A_35, %dma_start3A_44] : memref<4x136xf32, #tpu.memory_space<hbm>> -> memref<1x136xf32, #tpu.memory_space<hbm>>
      %dma_start3A_46 = tpu.memref_squeeze %dma_start3A_45 : memref<1x136xf32, #tpu.memory_space<hbm>> -> memref<136xf32, #tpu.memory_space<hbm>>
      tpu.enqueue_dma source(%dma_start3A_46 : memref<136xf32, #tpu.memory_space<hbm>>) target(%arg9 : memref<136xf32, #tpu.memory_space<vmem>>) target_semaphore(%run_scoped3A_41 : memref<!tpu.dma_semaphore, #tpu.memory_space<semaphore_mem>>)
      %dma_wait3A = arith.constant 0 : i32
      %dma_wait3A_47 = tpu.memref_slice %arg3[%run_scoped3A_35, %dma_wait3A] : memref<4x136xf32, #tpu.memory_space<hbm>> -> memref<1x136xf32, #tpu.memory_space<hbm>>
      %dma_wait3A_48 = tpu.memref_squeeze %dma_wait3A_47 : memref<1x136xf32, #tpu.memory_space<hbm>> -> memref<136xf32, #tpu.memory_space<hbm>>
      %dma_wait3A_49 = arith.constant 0 : i32
      %dma_wait3A_50 = tpu.memref_slice %arg3[%run_scoped3A_35, %dma_wait3A_49] : memref<4x136xf32, #tpu.memory_space<hbm>> -> memref<1x136xf32, #tpu.memory_space<hbm>>
      %dma_wait3A_51 = tpu.memref_squeeze %dma_wait3A_50 : memref<1x136xf32, #tpu.memory_space<hbm>> -> memref<136xf32, #tpu.memory_space<hbm>>
      tpu.wait_dma2 semaphore(%run_scoped3A_41 : memref<!tpu.dma_semaphore, #tpu.memory_space<semaphore_mem>>) src(%dma_wait3A_51 : memref<136xf32, #tpu.memory_space<hbm>>) dst(%arg9 : memref<136xf32, #tpu.memory_space<vmem>>)
      tpu.yield
    }) : () -> ()
    %broadcast_in_dim3A = arith.constant 255 : i32
    %broadcast_in_dim3A_36 = vector.broadcast %broadcast_in_dim3A : i32 to vector<16xi32>
    %scan3A = arith.constant 0 : i32
    %scan3A_37 = arith.constant 16 : i32
    %scan3A_38 = arith.addi %scan3A, %scan3A_37 : i32
    %scan3A_39 = arith.constant 1 : i32
    scf.for %scan3A_41 = %scan3A to %scan3A_38 step %scan3A_39  : i32 {
      %mul3A_42 = arith.constant 1 : i32
      %mul3A_43 = arith.muli %scan3A_41, %mul3A_42 : i32
      %add3A_44 = arith.constant 0 : i32
      %add3A_45 = arith.addi %add3A_44, %mul3A_43 : i32
      %mul3A_46 = arith.constant 4096 : i32
      %mul3A_47 = arith.muli %add3A_45, %mul3A_46 : i32
      %add3A_48 = arith.addi %mul3A_2, %mul3A_47 : i32
      "tpu.region"() ({
        %run_scoped3A_87 = tpu.sem_alloc : memref<!tpu.dma_semaphore, #tpu.memory_space<semaphore_mem>>
        %dma_start3A = tpu.memref_slice %arg2[%add3A_48] : memref<2097152xi32, #tpu.memory_space<hbm>> -> memref<4096xi32, #tpu.memory_space<hbm>>
        %dma_start3A_88 = tpu.memref_slice %arg2[%add3A_48] : memref<2097152xi32, #tpu.memory_space<hbm>> -> memref<4096xi32, #tpu.memory_space<hbm>>
        tpu.enqueue_dma source(%dma_start3A_88 : memref<4096xi32, #tpu.memory_space<hbm>>) target(%arg5 : memref<4096xi32, #tpu.memory_space<vmem>>) target_semaphore(%run_scoped3A_87 : memref<!tpu.dma_semaphore, #tpu.memory_space<semaphore_mem>>)
        %dma_wait3A = tpu.memref_slice %arg2[%add3A_48] : memref<2097152xi32, #tpu.memory_space<hbm>> -> memref<4096xi32, #tpu.memory_space<hbm>>
        %dma_wait3A_89 = tpu.memref_slice %arg2[%add3A_48] : memref<2097152xi32, #tpu.memory_space<hbm>> -> memref<4096xi32, #tpu.memory_space<hbm>>
        tpu.wait_dma2 semaphore(%run_scoped3A_87 : memref<!tpu.dma_semaphore, #tpu.memory_space<semaphore_mem>>) src(%dma_wait3A_89 : memref<4096xi32, #tpu.memory_space<hbm>>) dst(%arg5 : memref<4096xi32, #tpu.memory_space<vmem>>)
        tpu.yield
      }) : () -> ()
      %scan3A_49 = arith.constant 0 : i32
      %scan3A_50 = arith.constant 256 : i32
      %scan3A_51 = arith.addi %scan3A_49, %scan3A_50 : i32
      %scan3A_52 = arith.constant 1 : i32
      scf.for %scan3A_87 = %scan3A_49 to %scan3A_51 step %scan3A_52  : i32 {
        %mul3A_88 = arith.constant 1 : i32
        %mul3A_89 = arith.muli %scan3A_87, %mul3A_88 : i32
        %add3A_90 = arith.constant 0 : i32
        %add3A_91 = arith.addi %add3A_90, %mul3A_89 : i32
        %mul3A_92 = arith.constant 16 : i32
        %mul3A_93 = arith.muli %add3A_91, %mul3A_92 : i32
        %get3A = arith.index_cast %mul3A_93 : i32 to index
        %get3A_94 = tpu.vector_load %arg5[%get3A] {strides = array<i32>} : memref<4096xi32, #tpu.memory_space<vmem>>, vector<16xi32>,
        %and3A_95 = arith.andi %get3A_94, %broadcast_in_dim3A_36 : vector<16xi32>
        %shift_right_logical3A = arith.constant 8 : i32
        %shift_right_logical3A_96 = vector.broadcast %shift_right_logical3A : i32 to vector<16xi32>
        %shift_right_logical3A_97 = arith.shrui %get3A_94, %shift_right_logical3A_96 : vector<16xi32>
        %and3A_98 = arith.andi %shift_right_logical3A_97, %broadcast_in_dim3A_36 : vector<16xi32>
        %shift_right_logical3A_99 = arith.constant 16 : i32
        %shift_right_logical3A_100 = vector.broadcast %shift_right_logical3A_99 : i32 to vector<16xi32>
        %shift_right_logical3A_101 = arith.shrui %get3A_94, %shift_right_logical3A_100 : vector<16xi32>
        %and3A_102 = arith.andi %shift_right_logical3A_101, %broadcast_in_dim3A_36 : vector<16xi32>
        %shift_right_logical3A_103 = arith.constant 24 : i32
        %shift_right_logical3A_104 = vector.broadcast %shift_right_logical3A_103 : i32 to vector<16xi32>
        %shift_right_logical3A_105 = arith.shrui %get3A_94, %shift_right_logical3A_104 : vector<16xi32>
        %gather3A = tpu.vector_load_idx %arg6[%and3A_95] : memref<136xf32, #tpu.memory_space<vmem>>[vector<16xi32>], vector<16xf32>,
        %gather3A_106 = tpu.vector_load_idx %arg7[%and3A_98] : memref<136xf32, #tpu.memory_space<vmem>>[vector<16xi32>], vector<16xf32>,
        %gather3A_107 = tpu.vector_load_idx %arg8[%and3A_102] : memref<136xf32, #tpu.memory_space<vmem>>[vector<16xi32>], vector<16xf32>,
        %gather3A_108 = tpu.vector_load_idx %arg9[%shift_right_logical3A_105] : memref<136xf32, #tpu.memory_space<vmem>>[vector<16xi32>], vector<16xf32>,
        %add3A_109 = arith.addf %gather3A, %gather3A_106 : vector<16xf32>
        %add3A_110 = arith.addf %gather3A_107, %gather3A_108 : vector<16xf32>
        %add3A_111 = arith.addf %add3A_109, %add3A_110 : vector<16xf32>
        %eq3A_112 = arith.constant 0.000000e+00 : f32
        %eq3A_113 = vector.broadcast %eq3A_112 : f32 to vector<16xf32>
        %eq3A_114 = arith.cmpf oeq, %add3A_111, %eq3A_113 : vector<16xf32>
        %jit3A_115 = arith.constant 9.99999993E-9 : f32
        %broadcast_in_dim3A_116 = vector.broadcast %jit3A_115 : f32 to vector<16xf32>
        %select_n3A_117 = arith.select %eq3A_114, %broadcast_in_dim3A_116, %add3A_111 : vector<16xi1>, vector<16xf32>
        %div3A_118 = arith.constant 1.000000e+00 : f32
        %div3A_119 = vector.broadcast %div3A_118 : f32 to vector<16xf32>
        %div3A_120 = arith.divf %div3A_119, %select_n3A_117 : vector<16xf32>
        %mul3A_121 = arith.mulf %gather3A, %div3A_120 : vector<16xf32>
        %swap3A = arith.index_cast %mul3A_93 : i32 to index
        %swap3A_122 = tpu.vector_load %arg10[%swap3A] {strides = array<i32>} : memref<4096xf32, #tpu.memory_space<vmem>>, vector<16xf32>,
        tpu.vector_store %arg10[%swap3A], %mul3A_121 {strides = array<i32>} : memref<4096xf32, #tpu.memory_space<vmem>>, vector<16xf32>,
        %mul3A_123 = arith.mulf %gather3A_106, %div3A_120 : vector<16xf32>
        %swap3A_124 = arith.index_cast %mul3A_93 : i32 to index
        %swap3A_125 = tpu.vector_load %arg11[%swap3A_124] {strides = array<i32>} : memref<4096xf32, #tpu.memory_space<vmem>>, vector<16xf32>,
        tpu.vector_store %arg11[%swap3A_124], %mul3A_123 {strides = array<i32>} : memref<4096xf32, #tpu.memory_space<vmem>>, vector<16xf32>,
        %mul3A_126 = arith.mulf %gather3A_107, %div3A_120 : vector<16xf32>
        %swap3A_127 = arith.index_cast %mul3A_93 : i32 to index
        %swap3A_128 = tpu.vector_load %arg12[%swap3A_127] {strides = array<i32>} : memref<4096xf32, #tpu.memory_space<vmem>>, vector<16xf32>,
        tpu.vector_store %arg12[%swap3A_127], %mul3A_126 {strides = array<i32>} : memref<4096xf32, #tpu.memory_space<vmem>>, vector<16xf32>,
        %mul3A_129 = arith.mulf %gather3A_108, %div3A_120 : vector<16xf32>
        %swap3A_130 = arith.index_cast %mul3A_93 : i32 to index
        %swap3A_131 = tpu.vector_load %arg13[%swap3A_130] {strides = array<i32>} : memref<4096xf32, #tpu.memory_space<vmem>>, vector<16xf32>,
        tpu.vector_store %arg13[%swap3A_130], %mul3A_129 {strides = array<i32>} : memref<4096xf32, #tpu.memory_space<vmem>>, vector<16xf32>,
      }
      %scan3A_53 = arith.constant 256 : i32
      %mul3A_54 = arith.constant 65536 : i32
      %mul3A_55 = arith.muli %select_n3A_32, %mul3A_54 : i32
      %mul3A_56 = arith.constant 4096 : i32
      %mul3A_57 = arith.muli %add3A_45, %mul3A_56 : i32
      %add3A_58 = arith.addi %mul3A_55, %mul3A_57 : i32
      %mul3A_59 = arith.constant 4 : i32
      %mul3A_60 = arith.muli %select_n3A, %mul3A_59 : i32
      %add3A_61 = arith.constant 0 : i32
      %add3A_62 = arith.addi %mul3A_60, %add3A_61 : i32
      %mul3A_63 = arith.constant 262144 : i32
      %mul3A_64 = arith.muli %add3A_62, %mul3A_63 : i32
      %add3A_65 = arith.addi %mul3A_64, %add3A_58 : i32
      "tpu.region"() ({
        %run_scoped3A_87 = tpu.sem_alloc : memref<!tpu.dma_semaphore, #tpu.memory_space<semaphore_mem>>
        %dma_start3A = tpu.memref_slice %arg4[%add3A_65] : memref<8388608xf32, #tpu.memory_space<hbm>> -> memref<4096xf32, #tpu.memory_space<hbm>>
        %dma_start3A_88 = tpu.memref_slice %arg4[%add3A_65] : memref<8388608xf32, #tpu.memory_space<hbm>> -> memref<4096xf32, #tpu.memory_space<hbm>>
        tpu.enqueue_dma source(%arg10 : memref<4096xf32, #tpu.memory_space<vmem>>) target(%dma_start3A_88 : memref<4096xf32, #tpu.memory_space<hbm>>) target_semaphore(%run_scoped3A_87 : memref<!tpu.dma_semaphore, #tpu.memory_space<semaphore_mem>>)
        %dma_wait3A = tpu.memref_slice %arg4[%add3A_65] : memref<8388608xf32, #tpu.memory_space<hbm>> -> memref<4096xf32, #tpu.memory_space<hbm>>
        %dma_wait3A_89 = tpu.memref_slice %arg4[%add3A_65] : memref<8388608xf32, #tpu.memory_space<hbm>> -> memref<4096xf32, #tpu.memory_space<hbm>>
        tpu.wait_dma2 semaphore(%run_scoped3A_87 : memref<!tpu.dma_semaphore, #tpu.memory_space<semaphore_mem>>) src(%arg10 : memref<4096xf32, #tpu.memory_space<vmem>>) dst(%dma_wait3A_89 : memref<4096xf32, #tpu.memory_space<hbm>>)
        tpu.yield
      }) : () -> ()
      %mul3A_66 = arith.constant 4 : i32
      %mul3A_67 = arith.muli %select_n3A, %mul3A_66 : i32
      %add3A_68 = arith.constant 1 : i32
      %add3A_69 = arith.addi %mul3A_67, %add3A_68 : i32
      %mul3A_70 = arith.constant 262144 : i32
      %mul3A_71 = arith.muli %add3A_69, %mul3A_70 : i32
      %add3A_72 = arith.addi %mul3A_71, %add3A_58 : i32
      "tpu.region"() ({
        %run_scoped3A_87 = tpu.sem_alloc : memref<!tpu.dma_semaphore, #tpu.memory_space<semaphore_mem>>
        %dma_start3A = tpu.memref_slice %arg4[%add3A_72] : memref<8388608xf32, #tpu.memory_space<hbm>> -> memref<4096xf32, #tpu.memory_space<hbm>>
        %dma_start3A_88 = tpu.memref_slice %arg4[%add3A_72] : memref<8388608xf32, #tpu.memory_space<hbm>> -> memref<4096xf32, #tpu.memory_space<hbm>>
        tpu.enqueue_dma source(%arg11 : memref<4096xf32, #tpu.memory_space<vmem>>) target(%dma_start3A_88 : memref<4096xf32, #tpu.memory_space<hbm>>) target_semaphore(%run_scoped3A_87 : memref<!tpu.dma_semaphore, #tpu.memory_space<semaphore_mem>>)
        %dma_wait3A = tpu.memref_slice %arg4[%add3A_72] : memref<8388608xf32, #tpu.memory_space<hbm>> -> memref<4096xf32, #tpu.memory_space<hbm>>
        %dma_wait3A_89 = tpu.memref_slice %arg4[%add3A_72] : memref<8388608xf32, #tpu.memory_space<hbm>> -> memref<4096xf32, #tpu.memory_space<hbm>>
        tpu.wait_dma2 semaphore(%run_scoped3A_87 : memref<!tpu.dma_semaphore, #tpu.memory_space<semaphore_mem>>) src(%arg11 : memref<4096xf32, #tpu.memory_space<vmem>>) dst(%dma_wait3A_89 : memref<4096xf32, #tpu.memory_space<hbm>>)
        tpu.yield
      }) : () -> ()
      %mul3A_73 = arith.constant 4 : i32
      %mul3A_74 = arith.muli %select_n3A, %mul3A_73 : i32
      %add3A_75 = arith.constant 2 : i32
      %add3A_76 = arith.addi %mul3A_74, %add3A_75 : i32
      %mul3A_77 = arith.constant 262144 : i32
      %mul3A_78 = arith.muli %add3A_76, %mul3A_77 : i32
      %add3A_79 = arith.addi %mul3A_78, %add3A_58 : i32
      "tpu.region"() ({
        %run_scoped3A_87 = tpu.sem_alloc : memref<!tpu.dma_semaphore, #tpu.memory_space<semaphore_mem>>
        %dma_start3A = tpu.memref_slice %arg4[%add3A_79] : memref<8388608xf32, #tpu.memory_space<hbm>> -> memref<4096xf32, #tpu.memory_space<hbm>>
        %dma_start3A_88 = tpu.memref_slice %arg4[%add3A_79] : memref<8388608xf32, #tpu.memory_space<hbm>> -> memref<4096xf32, #tpu.memory_space<hbm>>
        tpu.enqueue_dma source(%arg12 : memref<4096xf32, #tpu.memory_space<vmem>>) target(%dma_start3A_88 : memref<4096xf32, #tpu.memory_space<hbm>>) target_semaphore(%run_scoped3A_87 : memref<!tpu.dma_semaphore, #tpu.memory_space<semaphore_mem>>)
        %dma_wait3A = tpu.memref_slice %arg4[%add3A_79] : memref<8388608xf32, #tpu.memory_space<hbm>> -> memref<4096xf32, #tpu.memory_space<hbm>>
        %dma_wait3A_89 = tpu.memref_slice %arg4[%add3A_79] : memref<8388608xf32, #tpu.memory_space<hbm>> -> memref<4096xf32, #tpu.memory_space<hbm>>
        tpu.wait_dma2 semaphore(%run_scoped3A_87 : memref<!tpu.dma_semaphore, #tpu.memory_space<semaphore_mem>>) src(%arg12 : memref<4096xf32, #tpu.memory_space<vmem>>) dst(%dma_wait3A_89 : memref<4096xf32, #tpu.memory_space<hbm>>)
        tpu.yield
      }) : () -> ()
      %mul3A_80 = arith.constant 4 : i32
      %mul3A_81 = arith.muli %select_n3A, %mul3A_80 : i32
      %add3A_82 = arith.constant 3 : i32
      %add3A_83 = arith.addi %mul3A_81, %add3A_82 : i32
      %mul3A_84 = arith.constant 262144 : i32
      %mul3A_85 = arith.muli %add3A_83, %mul3A_84 : i32
      %add3A_86 = arith.addi %mul3A_85, %add3A_58 : i32
      "tpu.region"() ({
        %run_scoped3A_87 = tpu.sem_alloc : memref<!tpu.dma_semaphore, #tpu.memory_space<semaphore_mem>>
        %dma_start3A = tpu.memref_slice %arg4[%add3A_86] : memref<8388608xf32, #tpu.memory_space<hbm>> -> memref<4096xf32, #tpu.memory_space<hbm>>
        %dma_start3A_88 = tpu.memref_slice %arg4[%add3A_86] : memref<8388608xf32, #tpu.memory_space<hbm>> -> memref<4096xf32, #tpu.memory_space<hbm>>
        tpu.enqueue_dma source(%arg13 : memref<4096xf32, #tpu.memory_space<vmem>>) target(%dma_start3A_88 : memref<4096xf32, #tpu.memory_space<hbm>>) target_semaphore(%run_scoped3A_87 : memref<!tpu.dma_semaphore, #tpu.memory_space<semaphore_mem>>)
        %dma_wait3A = tpu.memref_slice %arg4[%add3A_86] : memref<8388608xf32, #tpu.memory_space<hbm>> -> memref<4096xf32, #tpu.memory_space<hbm>>
        %dma_wait3A_89 = tpu.memref_slice %arg4[%add3A_86] : memref<8388608xf32, #tpu.memory_space<hbm>> -> memref<4096xf32, #tpu.memory_space<hbm>>
        tpu.wait_dma2 semaphore(%run_scoped3A_87 : memref<!tpu.dma_semaphore, #tpu.memory_space<semaphore_mem>>) src(%arg13 : memref<4096xf32, #tpu.memory_space<vmem>>) dst(%dma_wait3A_89 : memref<4096xf32, #tpu.memory_space<hbm>>)
        tpu.yield
      }) : () -> ()
    }
    %scan3A_40 = arith.constant 16 : i32
    return
  }
}

module attributes {stable_mosaic.version = 14 : i64} {
  func.func @_code_body(%arg0: i32, %arg1: memref<1x4x512x512xf32, #tpu.memory_space<vmem>>, %arg2: memref<1x512x512xi32, #tpu.memory_space<vmem>>) attributes {dimension_semantics = [#tpu.dimension_semantics<arbitrary>], iteration_bounds = array<i64: 8>, scalar_prefetch = 0 : i64, scratch_operands = 0 : i64, tpu.core_type = #tpu.core_type<tc>, window_params = [{transform_indices = @transform_0, window_bounds = array<i64: 1, 4, 512, 512>}, {transform_indices = @transform_1, window_bounds = array<i64: 1, 512, 512>}]} {
    %get3A = arith.constant 0 : index
    %get3A_0 = arith.constant 0 : index
    %get3A_1 = arith.constant 0 : index
    %get3A_2 = arith.constant 0 : index
    %get3A_3 = vector.load %arg1[%get3A, %get3A_0, %get3A_1, %get3A_2] : memref<1x4x512x512xf32, #tpu.memory_space<vmem>>, vector<1x1x512x512xf32>
    %get3A_4 = vector.shape_cast %get3A_3 : vector<1x1x512x512xf32> to vector<512x512xf32>
    %get3A_5 = arith.constant 0 : index
    %get3A_6 = arith.constant 1 : index
    %get3A_7 = arith.constant 0 : index
    %get3A_8 = arith.constant 0 : index
    %get3A_9 = vector.load %arg1[%get3A_5, %get3A_6, %get3A_7, %get3A_8] : memref<1x4x512x512xf32, #tpu.memory_space<vmem>>, vector<1x1x512x512xf32>
    %get3A_10 = vector.shape_cast %get3A_9 : vector<1x1x512x512xf32> to vector<512x512xf32>
    %get3A_11 = arith.constant 0 : index
    %get3A_12 = arith.constant 2 : index
    %get3A_13 = arith.constant 0 : index
    %get3A_14 = arith.constant 0 : index
    %get3A_15 = vector.load %arg1[%get3A_11, %get3A_12, %get3A_13, %get3A_14] : memref<1x4x512x512xf32, #tpu.memory_space<vmem>>, vector<1x1x512x512xf32>
    %get3A_16 = vector.shape_cast %get3A_15 : vector<1x1x512x512xf32> to vector<512x512xf32>
    %get3A_17 = arith.constant 0 : index
    %get3A_18 = arith.constant 3 : index
    %get3A_19 = arith.constant 0 : index
    %get3A_20 = arith.constant 0 : index
    %get3A_21 = vector.load %arg1[%get3A_17, %get3A_18, %get3A_19, %get3A_20] : memref<1x4x512x512xf32, #tpu.memory_space<vmem>>, vector<1x1x512x512xf32>
    %get3A_22 = vector.shape_cast %get3A_21 : vector<1x1x512x512xf32> to vector<512x512xf32>
    %max3A = arith.maximumf %get3A_4, %get3A_10 : vector<512x512xf32>
    %max3A_23 = arith.maximumf %get3A_16, %get3A_22 : vector<512x512xf32>
    %max3A_24 = arith.maximumf %max3A, %max3A_23 : vector<512x512xf32>
    %sub3A = arith.subf %get3A_4, %max3A_24 : vector<512x512xf32>
    %exp3A = math.exp %sub3A : vector<512x512xf32>
    %sub3A_25 = arith.subf %get3A_10, %max3A_24 : vector<512x512xf32>
    %exp3A_26 = math.exp %sub3A_25 : vector<512x512xf32>
    %sub3A_27 = arith.subf %get3A_16, %max3A_24 : vector<512x512xf32>
    %exp3A_28 = math.exp %sub3A_27 : vector<512x512xf32>
    %sub3A_29 = arith.subf %get3A_22, %max3A_24 : vector<512x512xf32>
    %exp3A_30 = math.exp %sub3A_29 : vector<512x512xf32>
    %add3A = arith.addf %exp3A, %exp3A_26 : vector<512x512xf32>
    %add3A_31 = arith.addf %exp3A_28, %exp3A_30 : vector<512x512xf32>
    %add3A_32 = arith.addf %add3A, %add3A_31 : vector<512x512xf32>
    %div3A = arith.divf %exp3A, %add3A_32 : vector<512x512xf32>
    %div3A_33 = arith.divf %exp3A_26, %add3A_32 : vector<512x512xf32>
    %div3A_34 = arith.divf %exp3A_28, %add3A_32 : vector<512x512xf32>
    %div3A_35 = arith.divf %exp3A_30, %add3A_32 : vector<512x512xf32>
    %ge3A = arith.cmpf oge, %div3A, %div3A_33 : vector<512x512xf32>
    %ge3A_36 = arith.cmpf oge, %div3A, %div3A_34 : vector<512x512xf32>
    %and3A = arith.andi %ge3A, %ge3A_36 : vector<512x512xi1>
    %ge3A_37 = arith.cmpf oge, %div3A, %div3A_35 : vector<512x512xf32>
    %and3A_38 = arith.andi %and3A, %ge3A_37 : vector<512x512xi1>
    %gt3A = arith.cmpf ogt, %div3A_33, %div3A : vector<512x512xf32>
    %ge3A_39 = arith.cmpf oge, %div3A_33, %div3A_34 : vector<512x512xf32>
    %and3A_40 = arith.andi %gt3A, %ge3A_39 : vector<512x512xi1>
    %ge3A_41 = arith.cmpf oge, %div3A_33, %div3A_35 : vector<512x512xf32>
    %and3A_42 = arith.andi %and3A_40, %ge3A_41 : vector<512x512xi1>
    %gt3A_43 = arith.cmpf ogt, %div3A_34, %div3A : vector<512x512xf32>
    %gt3A_44 = arith.cmpf ogt, %div3A_34, %div3A_33 : vector<512x512xf32>
    %and3A_45 = arith.andi %gt3A_43, %gt3A_44 : vector<512x512xi1>
    %ge3A_46 = arith.cmpf oge, %div3A_34, %div3A_35 : vector<512x512xf32>
    %and3A_47 = arith.andi %and3A_45, %ge3A_46 : vector<512x512xi1>
    %gt3A_48 = arith.cmpf ogt, %div3A_35, %div3A : vector<512x512xf32>
    %gt3A_49 = arith.cmpf ogt, %div3A_35, %div3A_33 : vector<512x512xf32>
    %and3A_50 = arith.andi %gt3A_48, %gt3A_49 : vector<512x512xi1>
    %gt3A_51 = arith.cmpf ogt, %div3A_35, %div3A_34 : vector<512x512xf32>
    %and3A_52 = arith.andi %and3A_50, %gt3A_51 : vector<512x512xi1>
    %broadcast_in_dim3A = arith.constant 0.000000e+00 : f32
    %broadcast_in_dim3A_53 = vector.broadcast %broadcast_in_dim3A : f32 to vector<512x1xf32>
    %broadcast_in_dim3A_54 = arith.constant 0.000000e+00 : f32
    %broadcast_in_dim3A_55 = vector.broadcast %broadcast_in_dim3A_54 : f32 to vector<1x512xf32>
    %jit3A = arith.constant 1.000000e+00 : f32
    %jit3A_56 = arith.constant 0.000000e+00 : f32
    %broadcast_in_dim3A_57 = vector.broadcast %jit3A : f32 to vector<512x512xf32>
    %broadcast_in_dim3A_58 = vector.broadcast %jit3A_56 : f32 to vector<512x512xf32>
    %select_n3A = arith.select %and3A_38, %broadcast_in_dim3A_57, %broadcast_in_dim3A_58 : vector<512x512xi1>, vector<512x512xf32>
    %slice3A = vector.extract_strided_slice %select_n3A {offsets = [0, 1], sizes = [512, 511], strides = [1, 1]} : vector<512x512xf32> to vector<512x511xf32>
    %concatenate3A = tpu.concatenate %slice3A, %broadcast_in_dim3A_53 in 1 : vector<512x511xf32>, vector<512x1xf32> -> vector<512x512xf32>
    %add3A_59 = arith.addf %select_n3A, %concatenate3A : vector<512x512xf32>
    %slice3A_60 = vector.extract_strided_slice %select_n3A {offsets = [0, 0], sizes = [512, 511], strides = [1, 1]} : vector<512x512xf32> to vector<512x511xf32>
    %concatenate3A_61 = tpu.concatenate %broadcast_in_dim3A_53, %slice3A_60 in 1 : vector<512x1xf32>, vector<512x511xf32> -> vector<512x512xf32>
    %add3A_62 = arith.addf %add3A_59, %concatenate3A_61 : vector<512x512xf32>
    %slice3A_63 = vector.extract_strided_slice %add3A_62 {offsets = [1, 0], sizes = [511, 512], strides = [1, 1]} : vector<512x512xf32> to vector<511x512xf32>
    %concatenate3A_64 = tpu.concatenate %slice3A_63, %broadcast_in_dim3A_55 in 0 : vector<511x512xf32>, vector<1x512xf32> -> vector<512x512xf32>
    %add3A_65 = arith.addf %add3A_62, %concatenate3A_64 : vector<512x512xf32>
    %slice3A_66 = vector.extract_strided_slice %add3A_62 {offsets = [0, 0], sizes = [511, 512], strides = [1, 1]} : vector<512x512xf32> to vector<511x512xf32>
    %concatenate3A_67 = tpu.concatenate %broadcast_in_dim3A_55, %slice3A_66 in 0 : vector<1x512xf32>, vector<511x512xf32> -> vector<512x512xf32>
    %add3A_68 = arith.addf %add3A_65, %concatenate3A_67 : vector<512x512xf32>
    %sub3A_69 = arith.subf %add3A_68, %select_n3A : vector<512x512xf32>
    %convert_element_type3A = arith.fptosi %sub3A_69 : vector<512x512xf32> to vector<512x512xi32>
    %div3A_70 = arith.constant 0.0666666701 : f32
    %div3A_71 = vector.broadcast %div3A_70 : f32 to vector<512x512xf32>
    %div3A_72 = arith.divf %div3A, %div3A_71 : vector<512x512xf32>
    %floor3A = math.floor %div3A_72 : vector<512x512xf32>
    %convert_element_type3A_73 = arith.fptosi %floor3A : vector<512x512xf32> to vector<512x512xi32>
    %jit3A_74 = arith.constant 0 : i32
    %jit3A_75 = arith.constant 14 : i32
    %max3A_76 = vector.broadcast %jit3A_74 : i32 to vector<512x512xi32>
    %max3A_77 = arith.maxsi %max3A_76, %convert_element_type3A_73 : vector<512x512xi32>
    %min3A = vector.broadcast %jit3A_75 : i32 to vector<512x512xi32>
    %min3A_78 = arith.minsi %min3A, %max3A_77 : vector<512x512xi32>
    %mul3A = arith.constant 15 : i32
    %mul3A_79 = vector.broadcast %mul3A : i32 to vector<512x512xi32>
    %mul3A_80 = arith.muli %convert_element_type3A, %mul3A_79 : vector<512x512xi32>
    %add3A_81 = arith.addi %mul3A_80, %min3A_78 : vector<512x512xi32>
    %jit3A_82 = arith.constant 1.000000e+00 : f32
    %jit3A_83 = arith.constant 0.000000e+00 : f32
    %broadcast_in_dim3A_84 = vector.broadcast %jit3A_82 : f32 to vector<512x512xf32>
    %broadcast_in_dim3A_85 = vector.broadcast %jit3A_83 : f32 to vector<512x512xf32>
    %select_n3A_86 = arith.select %and3A_42, %broadcast_in_dim3A_84, %broadcast_in_dim3A_85 : vector<512x512xi1>, vector<512x512xf32>
    %slice3A_87 = vector.extract_strided_slice %select_n3A_86 {offsets = [0, 1], sizes = [512, 511], strides = [1, 1]} : vector<512x512xf32> to vector<512x511xf32>
    %concatenate3A_88 = tpu.concatenate %slice3A_87, %broadcast_in_dim3A_53 in 1 : vector<512x511xf32>, vector<512x1xf32> -> vector<512x512xf32>
    %add3A_89 = arith.addf %select_n3A_86, %concatenate3A_88 : vector<512x512xf32>
    %slice3A_90 = vector.extract_strided_slice %select_n3A_86 {offsets = [0, 0], sizes = [512, 511], strides = [1, 1]} : vector<512x512xf32> to vector<512x511xf32>
    %concatenate3A_91 = tpu.concatenate %broadcast_in_dim3A_53, %slice3A_90 in 1 : vector<512x1xf32>, vector<512x511xf32> -> vector<512x512xf32>
    %add3A_92 = arith.addf %add3A_89, %concatenate3A_91 : vector<512x512xf32>
    %slice3A_93 = vector.extract_strided_slice %add3A_92 {offsets = [1, 0], sizes = [511, 512], strides = [1, 1]} : vector<512x512xf32> to vector<511x512xf32>
    %concatenate3A_94 = tpu.concatenate %slice3A_93, %broadcast_in_dim3A_55 in 0 : vector<511x512xf32>, vector<1x512xf32> -> vector<512x512xf32>
    %add3A_95 = arith.addf %add3A_92, %concatenate3A_94 : vector<512x512xf32>
    %slice3A_96 = vector.extract_strided_slice %add3A_92 {offsets = [0, 0], sizes = [511, 512], strides = [1, 1]} : vector<512x512xf32> to vector<511x512xf32>
    %concatenate3A_97 = tpu.concatenate %broadcast_in_dim3A_55, %slice3A_96 in 0 : vector<1x512xf32>, vector<511x512xf32> -> vector<512x512xf32>
    %add3A_98 = arith.addf %add3A_95, %concatenate3A_97 : vector<512x512xf32>
    %sub3A_99 = arith.subf %add3A_98, %select_n3A_86 : vector<512x512xf32>
    %convert_element_type3A_100 = arith.fptosi %sub3A_99 : vector<512x512xf32> to vector<512x512xi32>
    %div3A_101 = arith.constant 0.0666666701 : f32
    %div3A_102 = vector.broadcast %div3A_101 : f32 to vector<512x512xf32>
    %div3A_103 = arith.divf %div3A_33, %div3A_102 : vector<512x512xf32>
    %floor3A_104 = math.floor %div3A_103 : vector<512x512xf32>
    %convert_element_type3A_105 = arith.fptosi %floor3A_104 : vector<512x512xf32> to vector<512x512xi32>
    %jit3A_106 = arith.constant 0 : i32
    %jit3A_107 = arith.constant 14 : i32
    %max3A_108 = vector.broadcast %jit3A_106 : i32 to vector<512x512xi32>
    %max3A_109 = arith.maxsi %max3A_108, %convert_element_type3A_105 : vector<512x512xi32>
    %min3A_110 = vector.broadcast %jit3A_107 : i32 to vector<512x512xi32>
    %min3A_111 = arith.minsi %min3A_110, %max3A_109 : vector<512x512xi32>
    %mul3A_112 = arith.constant 15 : i32
    %mul3A_113 = vector.broadcast %mul3A_112 : i32 to vector<512x512xi32>
    %mul3A_114 = arith.muli %convert_element_type3A_100, %mul3A_113 : vector<512x512xi32>
    %add3A_115 = arith.addi %mul3A_114, %min3A_111 : vector<512x512xi32>
    %shift_left3A = arith.constant 8 : i32
    %shift_left3A_116 = vector.broadcast %shift_left3A : i32 to vector<512x512xi32>
    %shift_left3A_117 = arith.shli %add3A_115, %shift_left3A_116 : vector<512x512xi32>
    %or3A = arith.ori %add3A_81, %shift_left3A_117 : vector<512x512xi32>
    %jit3A_118 = arith.constant 1.000000e+00 : f32
    %jit3A_119 = arith.constant 0.000000e+00 : f32
    %broadcast_in_dim3A_120 = vector.broadcast %jit3A_118 : f32 to vector<512x512xf32>
    %broadcast_in_dim3A_121 = vector.broadcast %jit3A_119 : f32 to vector<512x512xf32>
    %select_n3A_122 = arith.select %and3A_47, %broadcast_in_dim3A_120, %broadcast_in_dim3A_121 : vector<512x512xi1>, vector<512x512xf32>
    %slice3A_123 = vector.extract_strided_slice %select_n3A_122 {offsets = [0, 1], sizes = [512, 511], strides = [1, 1]} : vector<512x512xf32> to vector<512x511xf32>
    %concatenate3A_124 = tpu.concatenate %slice3A_123, %broadcast_in_dim3A_53 in 1 : vector<512x511xf32>, vector<512x1xf32> -> vector<512x512xf32>
    %add3A_125 = arith.addf %select_n3A_122, %concatenate3A_124 : vector<512x512xf32>
    %slice3A_126 = vector.extract_strided_slice %select_n3A_122 {offsets = [0, 0], sizes = [512, 511], strides = [1, 1]} : vector<512x512xf32> to vector<512x511xf32>
    %concatenate3A_127 = tpu.concatenate %broadcast_in_dim3A_53, %slice3A_126 in 1 : vector<512x1xf32>, vector<512x511xf32> -> vector<512x512xf32>
    %add3A_128 = arith.addf %add3A_125, %concatenate3A_127 : vector<512x512xf32>
    %slice3A_129 = vector.extract_strided_slice %add3A_128 {offsets = [1, 0], sizes = [511, 512], strides = [1, 1]} : vector<512x512xf32> to vector<511x512xf32>
    %concatenate3A_130 = tpu.concatenate %slice3A_129, %broadcast_in_dim3A_55 in 0 : vector<511x512xf32>, vector<1x512xf32> -> vector<512x512xf32>
    %add3A_131 = arith.addf %add3A_128, %concatenate3A_130 : vector<512x512xf32>
    %slice3A_132 = vector.extract_strided_slice %add3A_128 {offsets = [0, 0], sizes = [511, 512], strides = [1, 1]} : vector<512x512xf32> to vector<511x512xf32>
    %concatenate3A_133 = tpu.concatenate %broadcast_in_dim3A_55, %slice3A_132 in 0 : vector<1x512xf32>, vector<511x512xf32> -> vector<512x512xf32>
    %add3A_134 = arith.addf %add3A_131, %concatenate3A_133 : vector<512x512xf32>
    %sub3A_135 = arith.subf %add3A_134, %select_n3A_122 : vector<512x512xf32>
    %convert_element_type3A_136 = arith.fptosi %sub3A_135 : vector<512x512xf32> to vector<512x512xi32>
    %div3A_137 = arith.constant 0.0666666701 : f32
    %div3A_138 = vector.broadcast %div3A_137 : f32 to vector<512x512xf32>
    %div3A_139 = arith.divf %div3A_34, %div3A_138 : vector<512x512xf32>
    %floor3A_140 = math.floor %div3A_139 : vector<512x512xf32>
    %convert_element_type3A_141 = arith.fptosi %floor3A_140 : vector<512x512xf32> to vector<512x512xi32>
    %jit3A_142 = arith.constant 0 : i32
    %jit3A_143 = arith.constant 14 : i32
    %max3A_144 = vector.broadcast %jit3A_142 : i32 to vector<512x512xi32>
    %max3A_145 = arith.maxsi %max3A_144, %convert_element_type3A_141 : vector<512x512xi32>
    %min3A_146 = vector.broadcast %jit3A_143 : i32 to vector<512x512xi32>
    %min3A_147 = arith.minsi %min3A_146, %max3A_145 : vector<512x512xi32>
    %mul3A_148 = arith.constant 15 : i32
    %mul3A_149 = vector.broadcast %mul3A_148 : i32 to vector<512x512xi32>
    %mul3A_150 = arith.muli %convert_element_type3A_136, %mul3A_149 : vector<512x512xi32>
    %add3A_151 = arith.addi %mul3A_150, %min3A_147 : vector<512x512xi32>
    %shift_left3A_152 = arith.constant 16 : i32
    %shift_left3A_153 = vector.broadcast %shift_left3A_152 : i32 to vector<512x512xi32>
    %shift_left3A_154 = arith.shli %add3A_151, %shift_left3A_153 : vector<512x512xi32>
    %or3A_155 = arith.ori %or3A, %shift_left3A_154 : vector<512x512xi32>
    %jit3A_156 = arith.constant 1.000000e+00 : f32
    %jit3A_157 = arith.constant 0.000000e+00 : f32
    %broadcast_in_dim3A_158 = vector.broadcast %jit3A_156 : f32 to vector<512x512xf32>
    %broadcast_in_dim3A_159 = vector.broadcast %jit3A_157 : f32 to vector<512x512xf32>
    %select_n3A_160 = arith.select %and3A_52, %broadcast_in_dim3A_158, %broadcast_in_dim3A_159 : vector<512x512xi1>, vector<512x512xf32>
    %slice3A_161 = vector.extract_strided_slice %select_n3A_160 {offsets = [0, 1], sizes = [512, 511], strides = [1, 1]} : vector<512x512xf32> to vector<512x511xf32>
    %concatenate3A_162 = tpu.concatenate %slice3A_161, %broadcast_in_dim3A_53 in 1 : vector<512x511xf32>, vector<512x1xf32> -> vector<512x512xf32>
    %add3A_163 = arith.addf %select_n3A_160, %concatenate3A_162 : vector<512x512xf32>
    %slice3A_164 = vector.extract_strided_slice %select_n3A_160 {offsets = [0, 0], sizes = [512, 511], strides = [1, 1]} : vector<512x512xf32> to vector<512x511xf32>
    %concatenate3A_165 = tpu.concatenate %broadcast_in_dim3A_53, %slice3A_164 in 1 : vector<512x1xf32>, vector<512x511xf32> -> vector<512x512xf32>
    %add3A_166 = arith.addf %add3A_163, %concatenate3A_165 : vector<512x512xf32>
    %slice3A_167 = vector.extract_strided_slice %add3A_166 {offsets = [1, 0], sizes = [511, 512], strides = [1, 1]} : vector<512x512xf32> to vector<511x512xf32>
    %concatenate3A_168 = tpu.concatenate %slice3A_167, %broadcast_in_dim3A_55 in 0 : vector<511x512xf32>, vector<1x512xf32> -> vector<512x512xf32>
    %add3A_169 = arith.addf %add3A_166, %concatenate3A_168 : vector<512x512xf32>
    %slice3A_170 = vector.extract_strided_slice %add3A_166 {offsets = [0, 0], sizes = [511, 512], strides = [1, 1]} : vector<512x512xf32> to vector<511x512xf32>
    %concatenate3A_171 = tpu.concatenate %broadcast_in_dim3A_55, %slice3A_170 in 0 : vector<1x512xf32>, vector<511x512xf32> -> vector<512x512xf32>
    %add3A_172 = arith.addf %add3A_169, %concatenate3A_171 : vector<512x512xf32>
    %sub3A_173 = arith.subf %add3A_172, %select_n3A_160 : vector<512x512xf32>
    %convert_element_type3A_174 = arith.fptosi %sub3A_173 : vector<512x512xf32> to vector<512x512xi32>
    %div3A_175 = arith.constant 0.0666666701 : f32
    %div3A_176 = vector.broadcast %div3A_175 : f32 to vector<512x512xf32>
    %div3A_177 = arith.divf %div3A_35, %div3A_176 : vector<512x512xf32>
    %floor3A_178 = math.floor %div3A_177 : vector<512x512xf32>
    %convert_element_type3A_179 = arith.fptosi %floor3A_178 : vector<512x512xf32> to vector<512x512xi32>
    %jit3A_180 = arith.constant 0 : i32
    %jit3A_181 = arith.constant 14 : i32
    %max3A_182 = vector.broadcast %jit3A_180 : i32 to vector<512x512xi32>
    %max3A_183 = arith.maxsi %max3A_182, %convert_element_type3A_179 : vector<512x512xi32>
    %min3A_184 = vector.broadcast %jit3A_181 : i32 to vector<512x512xi32>
    %min3A_185 = arith.minsi %min3A_184, %max3A_183 : vector<512x512xi32>
    %mul3A_186 = arith.constant 15 : i32
    %mul3A_187 = vector.broadcast %mul3A_186 : i32 to vector<512x512xi32>
    %mul3A_188 = arith.muli %convert_element_type3A_174, %mul3A_187 : vector<512x512xi32>
    %add3A_189 = arith.addi %mul3A_188, %min3A_185 : vector<512x512xi32>
    %shift_left3A_190 = arith.constant 24 : i32
    %shift_left3A_191 = vector.broadcast %shift_left3A_190 : i32 to vector<512x512xi32>
    %shift_left3A_192 = arith.shli %add3A_189, %shift_left3A_191 : vector<512x512xi32>
    %or3A_193 = arith.ori %or3A_155, %shift_left3A_192 : vector<512x512xi32>
    %swap3A = arith.constant 0 : index
    %swap3A_194 = arith.constant 0 : index
    %swap3A_195 = arith.constant 0 : index
    %swap3A_196 = vector.load %arg2[%swap3A, %swap3A_194, %swap3A_195] : memref<1x512x512xi32, #tpu.memory_space<vmem>>, vector<1x512x512xi32>
    %swap3A_197 = vector.shape_cast %swap3A_196 : vector<1x512x512xi32> to vector<512x512xi32>
    %swap3A_198 = vector.shape_cast %or3A_193 : vector<512x512xi32> to vector<1x512x512xi32>
    tpu.vector_store %arg2[%swap3A, %swap3A_194, %swap3A_195], %swap3A_198 {strides = array<i32>} : memref<1x512x512xi32, #tpu.memory_space<vmem>>, vector<1x512x512xi32>,
    return
  }
  func.func @transform_0(%arg0: i32) -> (i32, i32, i32, i32) {
    %c0_i32 = arith.constant 0 : i32
    %c0_i32_0 = arith.constant 0 : i32
    %c0_i32_1 = arith.constant 0 : i32
    %c0_i32_2 = arith.constant 0 : i32
    return %arg0, %c0_i32, %c0_i32_0, %c0_i32_1 : i32, i32, i32, i32
  }
  func.func @transform_1(%arg0: i32) -> (i32, i32, i32) {
    %c0_i32 = arith.constant 0 : i32
    %c0_i32_0 = arith.constant 0 : i32
    %c0_i32_1 = arith.constant 0 : i32
    return %arg0, %c0_i32, %c0_i32_0 : i32, i32, i32
  }
}

</mosaic_0001>

<sc_bundles>
// kernel: kernel.4.cloned.1.call-start
scs
__scs_entry_jumppad:
0x0: {  	(pc) =	sbr.rel $0x88, $3  }
0x1: {  	(tag) =	ssettag $0x0;
	lr =	simm.s32 $0x1  }
0x2: {  	[smem:$0x3F9F] =	sst lr;
	_ =	strace $0xD0000000  }
0x3: {  	_ = 	snop  }
0x4: {  	_ = 	snop  }
0x5: {  	_ = 	snop  }
0x6: {  	_ = 	snop  }
0x7: {  	_ = 	snop  }
__scs_overlays_trampoline_lowered:
0x8: {  	[smem:$0x3FAE] =	sst s0  }
0x9: {  	[smem:$0x3FAF] =	sst s1  }
0xa: {  	[smem:$0x3FB0] =	sst s2  }
0xb: {  	[smem:$0x3FB1] =	sst s3  }
0xc: {  	[smem:$0x3FB2] =	sst s4  }
0xd: {  	[smem:$0x3FB3] =	sst s5  }
0xe: {  	[smem:$0x3FB4] =	sst s6  }
0xf: {  	[smem:$0x3FB5] =	sst s7  }
0x10: {  	[smem:$0x3FB6] =	sst s8  }
0x11: {  	[smem:$0x3FB7] =	sst s9;
	s0 =	simm.s32 @!p0 $0x0  }
0x12: {  	s1 =	sld [smem:$0x3F9D];
	s0 =	simm.s32 @p0 $0x1  }
0x13: {  	[smem:$0x3FB8] =	sst s0;
	s0 =	simm.s32 @!p1 $0x0  }
0x14: {  	s2 =	sld [smem:$0x3F9C];
	s0 =	simm.s32 @p1 $0x1  }
0x15: {  	[smem:$0x3FB9] =	sst s0;
	s0 =	simm.s32 @!p2 $0x0  }
0x16: {  	s3 =	sld [smem:$0x3FDB];
	s0 =	simm.s32 @p2 $0x1  }
0x17: {  	s4 =	simm.s32 $0x1BF5;
	[smem:$0x3FBB] =	sst s0  }
0x18: {  	s0 =	sld [smem:$0x3F9E];
	_ =	swait.ge [sflag:s4], $0x0  }
0x19: {  	s7 =	sld [smem:$0x3F9F]  }
0x1a: {  	s8 =	sadd.s32 $0xFFFFE003, lr  }
0x1b: {  	s9 =	sadd.s32 $0xFFFFFEF7, lr;
	s5 =	simm.s32 $0xFFFFFFFF;
	p2 =	slt.u32 s8, $0xFFFFF086  }
0x1c: {  	p1 =	slt.u32 s9, $0xF7A;
	s5 =	simm.s32 @!p2 $0x0  }
0x1d: {  	s5 =	simm.s32 @p1 $0x1;
	p0 =	seq.s32 s7, s2  }
0x1e: {  	s7 =	smul.u32 @!p0 $0xF7A, s2;
	p2 =	seq.s32 @!p0 s5, $0x0  }
0x1f: {  	s9 =	smul.u32 $0xF7A, s1;
	s8 =	simm.s32 @!p0 $0x1BF5;
	p2 =	por !p2, p0  }
0x20: {  	[sflag:s8] =	ssyncset.s32 @!p0 $0xFFFFF086;
	s6 =	sadd.s32 @!p0 s3, s7;
	s7 =	simm.s32 @!p0 $0x108  }
0x21: {  	s3 =	sadd.s32 s3, s9;
	s6 =	sadd.s32 @!p0 $0x88, s6;
	s7 =	simm.s32 @p2 $0x1082  }
0x22: {  	[simem:s7], [sflag:s8] =	dma.local @!p0 [hbm:s6], $0xF7A  }
0x23: {  	s9 =	sor.u32 $0xD0000000, s2;
	s6 =	simm.s32 $0x108;
	_ =	swait.ge @!p0 [sflag:s8], $0x0  }
0x24: {  	s3 =	sadd.s32 $0x88, s3;
	s6 =	simm.s32 @!p1 $0x1082;
	[sflag:s4] =	ssyncset.s32 $0xFFFFF086  }
0x25: {  	[simem:s6], [sflag:s4] =	dma.local [hbm:s3], $0xF7A  }
0x26: {  	[smem:$0x3F9F] =	sst s1;
	(tag) =	ssettag s2;
	_ =	strace s9  }
0x27: {  	s1 =	sld [smem:$0x3FAF]  }
0x28: {  	s2 =	sld [smem:$0x3FB0]  }
0x29: {  	s4 =	sld [smem:$0x3FB2]  }
0x2a: {  	p0 =	seq.s32 s5, $0x0;
	s5 =	sld [smem:$0x3FB3]  }
0x2b: {  	s6 =	sld [smem:$0x3FB4]  }
0x2c: {  	s7 =	sld [smem:$0x3FB5]  }
0x2d: {  	s3 =	simm.s32 $0x108;
	s8 =	sld [smem:$0x3FB6]  }
0x2e: {  	s3 =	simm.s32 @!p0 $0x1082;
	s9 =	sld [smem:$0x3FB7]  }
0x2f: {  	lr =	sadd.s32 s0, s3;
	s0 =	sld [smem:$0x3FAE]  }
0x30: {  	s3 =	sld [smem:$0x3FB1]  }
0x31: {  	[smem:$0x3FBA] =	sst s10  }
0x32: {  	s10 =	sld [smem:$0x3FB8];
	_ =	sdelay $0x3  }
0x33: {  	p0 =	seq.s32 s10, $0x1;
	s10 =	sld [smem:$0x3FBA];
	_ =	sdelay $0x3  }
0x34: {  	[smem:$0x3FBA] =	sst s10  }
0x35: {  	s10 =	sld [smem:$0x3FB9];
	_ =	sdelay $0x3  }
0x36: {  	p1 =	seq.s32 s10, $0x1;
	s10 =	sld [smem:$0x3FBA];
	_ =	sdelay $0x3  }
0x37: {  	[smem:$0x3FBA] =	sst s10  }
0x38: {  	s10 =	sld [smem:$0x3FBB]  }
0x39: {  	_ = 	snop;
	(pc) =	sbr.ind lr, $3  }
0x3a: {  	_ = 	snop  }
0x3b: {  	_ = 	snop  }
0x3c: {  	p2 =	seq.s32 s10, $0x1;
	s10 =	sld [smem:$0x3FBA]  }
0x3d: {  	_ =	shalt  }
0x3e: {  	_ =	shalt  }
0x3f: {  	_ =	shalt  }
0x40: {  	_ =	shalt  }
0x41: {  	_ =	shalt  }
0x42: {  	_ =	shalt  }
0x43: {  	_ =	shalt  }
0x44: {  	_ =	shalt  }
0x45: {  	_ =	shalt  }
0x46: {  	_ =	shalt  }
0x47: {  	_ =	shalt  }
0x48: {  	_ =	shalt  }
0x49: {  	_ =	shalt  }
0x4a: {  	_ =	shalt  }
0x4b: {  	_ =	shalt  }
0x4c: {  	_ =	shalt  }
0x4d: {  	_ =	shalt  }
0x4e: {  	_ =	shalt  }
0x4f: {  	_ =	shalt  }
0x50: {  	_ =	shalt  }
0x51: {  	_ =	shalt  }
0x52: {  	_ =	shalt  }
0x53: {  	_ =	shalt  }
0x54: {  	_ =	shalt  }
0x55: {  	_ =	shalt  }
0x56: {  	_ =	shalt  }
0x57: {  	_ =	shalt  }
0x58: {  	_ =	shalt  }
0x59: {  	_ =	shalt  }
0x5a: {  	_ =	shalt  }
0x5b: {  	_ =	shalt  }
0x5c: {  	_ =	shalt  }
0x5d: {  	_ =	shalt  }
0x5e: {  	_ =	shalt  }
0x5f: {  	_ =	shalt  }
0x60: {  	_ =	shalt  }
0x61: {  	_ =	shalt  }
0x62: {  	_ =	shalt  }
0x63: {  	_ =	shalt  }
0x64: {  	_ =	shalt  }
0x65: {  	_ =	shalt  }
0x66: {  	_ =	shalt  }
0x67: {  	_ =	shalt  }
0x68: {  	_ =	shalt  }
0x69: {  	_ =	shalt  }
0x6a: {  	_ =	shalt  }
0x6b: {  	_ =	shalt  }
0x6c: {  	_ =	shalt  }
0x6d: {  	_ =	shalt  }
0x6e: {  	_ =	shalt  }
0x6f: {  	_ =	shalt  }
0x70: {  	_ =	shalt  }
0x71: {  	_ =	shalt  }
0x72: {  	_ =	shalt  }
0x73: {  	_ =	shalt  }
0x74: {  	_ =	shalt  }
0x75: {  	_ =	shalt  }
0x76: {  	_ =	shalt  }
0x77: {  	_ =	shalt  }
0x78: {  	_ =	shalt  }
0x79: {  	_ =	shalt  }
0x7a: {  	_ =	shalt  }
0x7b: {  	_ =	shalt  }
0x7c: {  	_ =	shalt  }
0x7d: {  	_ =	shalt  }
0x7e: {  	_ =	shalt  }
0x7f: {  	_ =	shalt  }
0x80: {  	_ =	shalt  }
0x81: {  	_ =	shalt  }
0x82: {  	_ =	shalt  }
0x83: {  	_ =	shalt  }
0x84: {  	_ =	shalt  }
0x85: {  	_ =	shalt  }
0x86: {  	_ =	shalt  }
0x87: {  	_ =	shalt  }
.Lfunc_end0:
.L_simem_size_0:
called_computation_lowered:
.L_overlay_start_0:
0x88: {  	s2 =	sld [smem:$0x3FD9]  }
0x89: {  	s3 =	sld [smem:$0x3FFE];
	_ =	sdelay $0x1  }
0x8a: {  	s1 =	srdreg.scid  }
0x8b: {  	s0 =	sand.u32 $0x1, s1  }
0x8c: {  	s17 =	sshll.u32 s0, $0xA;
	s2 =	sadd.s32 s3, s2  }
0x8d: {  	s2 =	sadd.s32 s2, s17  }
0x8e: {  	[smem:$0x3FC6] =	sst s2  }
0x8f: {  	_ = 	snop  }
0x90: {  	s2 =	sld [smem:$0x3FD0];
	(tm) =	ssettm $0x1  }
0x91: {  	s18 =	sld [smem:$0x3FFB];
	_ =	sdelay $0x3  }
0x92: {  	_ =	strace s18  }
0x93: {  	s3 =	sld [smem:$0x3FFC];
	_ =	sdelay $0x3  }
0x94: {  	_ =	strace s3  }
0x95: {  	s3 =	sld [smem:$0x3FFD];
	_ =	sdelay $0x3  }
0x96: {  	_ =	strace s3  }
0x97: {  	_ =	strace $0x8FFFFFFF  }
0x98: {  	s19 =	sld [smem:$0x3FDB];
	_ =	sdelay $0x1  }
0x99: {  	s4 =	simm.s32 $_scs_section_size  }
0x9a: {  	s5 =	simm.s32 $_size__tile_overlayer_lowered;
	s6 =	simm.s32 $_tile_overlayer_lowered  }
0x9b: {  	s22 =	simm.s32 $0x1BFF;
	s21 =	sshll.u32 s6, $0x1;
	s3 =	sadd.s32 s4, s19  }
0x9c: {  	s7 =	simm.s32 $0x0;
	s20 =	sshll.u32 s5, $0x1;
	s5 =	sadd.s32 s21, s3  }
0x9d: {  	[timem:s7], [sflag:s22] =	dma.local [hbm:s5], s20  }
0x9e: {  	_ =	swait.ge [sflag:s22], s20  }
0x9f: {  	s4 =	ssub.s32 $0x0, s20;
	[sflag:s22] =	ssyncset.done $0x0  }
0xa0: {  	[sflag:s22] =	ssyncadd.s32 s4;
	_ =	sdelay $0x1  }
0xa1: {  	s23 =	simm.s32 $0x1B8B  }
0xa2: {  	_ =	swait.ge [sflag:s23], $0x1  }
0xa3: {  	[sflag:s23] =	ssyncset.done $0x0  }
0xa4: {  	s25 =	simm.s32 $0x1B8E;
	s24 =	sld [smem:$0x3FFE];
	[sflag:s23] =	ssyncadd.s32 $0xFFFFFFFF  }
0xa5: {  	s26 =	simm.s32 $execute0_lowered;
	[smem:$0x3FD2] =	sst s25  }
0xa6: {  	s5 =	sshll.u32 s26, $0x1;
	_ =	strace $0x80000046;
	[dreg:$0x1] =	wrdreg $0xFFFFFFFF  }
0xa7: {  	s28 =	simm.s32 $_size_execute0_lowered;
	s3 =	sadd.s32 s3, s5;
	[dreg:$0x0] =	wrdreg $0x0  }
0xa8: {  	s5 =	sshll.u32 s28, $0x1;
	[dreg:$0x2] =	wrdreg s3  }
0xa9: {  	[dreg:$0x3] =	wrdreg s5  }
0xaa: {  	[dreg:$0x4] =	wrdreg $0xC0  }
0xab: {  	_ =	task [dreg:s7], $0x5FFFF  }
0xac: {  	[dreg:$0x1] =	wrdreg $0xFFFFFFFF  }
0xad: {  	[dreg:$0x0] =	wrdreg $0x60  }
0xae: {  	[dreg:$0x2] =	wrdreg s2  }
0xaf: {  	[dreg:$0x3] =	wrdreg s24  }
0xb0: {  	[dreg:$0x4] =	wrdreg $0x9  }
0xb1: {  	_ =	task.clear_ibuf [dreg:s7], $0x5FFFF;
	_ =	strace $0x90000046  }
0xb2: {  	s29 =	simm.s32 $0x9;
	_ =	strace $0x80000048  }
0xb3: {  	_ =	swait.ge [sflag:s29], $0x1  }
0xb4: {  	[sflag:s29] =	ssyncadd.s32 $0xFFFFFFFF  }
0xb5: {  	_ =	strace $0x90000048  }
0xb6: {  	_ =	sfence  }
0xb7: {  	s30 =	sld [smem:$0x0];
	_ =	sdelay $0x2  }
0xb8: {  	s31 =	sshll.u32 s1, $0xD;
	s1 =	sshrl.u32 s1, $0x2  }
0xb9: {  	s3 =	sand.u32 $0x4000, s31;
	s1 =	sadd.s32 s1, s30  }
0xba: {  	s0 =	sor.u32 s3, s0;
	s1 =	sshll.u32 s1, $0x11  }
0xbb: {  	s0 =	sor.u32 s1, s0  }
0xbc: {  	s0 =	sadd.s32 $0x8F2B, s0  }
0xbd: {  	[sflag:s0] =	ssyncadd.remote.s32 $0x1  }
0xbe: {  	_ =	sfence.sel $0xFFFF  }
0xbf: {  	[dreg:$0x0] =	wrdreg $0xFFFFFFFF;
	(pc) =	sbr.abs _section_cstart, $3  }
0xc0: {  	[dreg:$0x1] =	wrdreg $0xFFFFFFFF  }
0xc1: {  	_ =	task.clear_ibuf [dreg:s7], $0x2FFFF;
	_ =	strace $0x9FFFFFFF  }
0xc2: {  	(tm) =	ssettm $0x7FFFFFFF  }
0xc3: {  	_ =	shalt  }
tec
execute0_lowered:
.L_overlay_start_1:
0x0: {  	(tag) =	ssettag $0x1  }
0x1: {  	s1 =	rddreg [dreg:$0x0]  }
0x2: {  	s0 =	rddreg [dreg:$0x1];
	s2 =	simm.s32 $0x0  }
0x3: {  	s3 =	srdreg.scid;
	s15 =	simm.s32 $0x80;
	s16 =	simm.s32 $0x200  }
0x4: {  	s17 =	simm.s32 $0x1000;
	s18 =	simm.s32 $0x1;
	s19 =	simm.s32 $0x1100  }
0x5: {  	s20 =	simm.s32 $0x1200;
	s21 =	simm.s32 $0x1300;
	s22 =	simm.s32 $0x1400  }
0x6: {  	s23 =	simm.s32 $0x2400;
	s24 =	simm.s32 $0x3400;
	s25 =	simm.s32 $0x4400  }
0x7: {  	s26 =	simm.s32 $0x0;
	[smem:$0x7FF] =	sst s2;
	s6 =	sand.u32 $0x1, s3  }
0x8: {  	s4 =	sadd.s32 $0x400, s0;
	s5 =	sadd.s32 $0x600, s0;
	s3 =	stileid.u32  }
0x9: {  	s12 =	sadd.s32 $0x10600, s0;
	s13 =	sadd.s32 $0x18600, s0;
	_ =	strace $0x80000047  }
0xa: {  	s7 =	ssub.s32 $0x2, s6;
	s31 =	sshll.u32 s3, $0x11;
	s6 =	sshll.u32 s6, $0x10  }
0xb: {  	s9 =	sshll.u32 s3, $0x13;
	s8 =	sshrl.u32 s7, $0x1;
	s6 =	sor.u32 s6, s31  }
0xc: {  	s11 =	sand.u32 $0x700000, s9;
	s9 =	sadd.s32 $0x430, s0;
	s14 =	ssub.s32 s7, s8  }
0xd: {  	s7 =	sadd.s32 $0x410, s0;
	s8 =	sadd.s32 $0x420, s0;
	s10 =	sand.u32 $0x30000, s6  }
0xe: {  	s10 =	sor.u32 s11, s10;
	s11 =	sadd.s32 $0x8600, s0;
	s14 =	smax.u32 s14, $0x1  }
.LBB2_1:
0xf: {  	[tilespmem:s17], [sflag:$0x1] =	stream.strided.gather [hbm4b:s4+s15], $0x100, s16, s15, $0x38;
	[tilespmem:$0x5400] =	vst v63  }
0x10: {  	_ =	swait.ge [sflag:s18], $0x100  }
0x11: {  	[sflag:s18] =	ssyncset.done $0x0  }
0x12: {  	[sflag:s18] =	ssyncadd.s32 $0xFFFFFF00  }
0x13: {  	[tilespmem:s19], [sflag:$0x1] =	stream.strided.gather [hbm4b:s7+s15], $0x100, s16, s15, $0x38;
	[tilespmem:$0x5400] =	vst v63  }
0x14: {  	_ =	swait.ge [sflag:s18], $0x100  }
0x15: {  	[sflag:s18] =	ssyncset.done $0x0  }
0x16: {  	[sflag:s18] =	ssyncadd.s32 $0xFFFFFF00  }
0x17: {  	[tilespmem:s20], [sflag:$0x1] =	stream.strided.gather [hbm4b:s8+s15], $0x100, s16, s15, $0x38;
	[tilespmem:$0x5400] =	vst v63  }
0x18: {  	_ =	swait.ge [sflag:s18], $0x100  }
0x19: {  	[sflag:s18] =	ssyncset.done $0x0  }
0x1a: {  	[sflag:s18] =	ssyncadd.s32 $0xFFFFFF00  }
0x1b: {  	[tilespmem:s21], [sflag:$0x1] =	stream.strided.gather [hbm4b:s9+s15], $0x100, s16, s15, $0x38;
	[tilespmem:$0x5400] =	vst v63  }
0x1c: {  	_ =	swait.ge [sflag:s18], $0x100  }
0x1d: {  	[sflag:s18] =	ssyncset.done $0x0  }
0x1e: {  	s28 =	simm.s32 $0x0;
	[sflag:s18] =	ssyncadd.s32 $0xFFFFFF00  }
.LBB2_2:
0x1f: {  	s29 =	sshll.u32 s28, $0xC  }
0x20: {  	s0 =	sor.u32 s6, s29  }
0x21: {  	s0 =	sshrl.u32 s0, $0x3  }
0x22: {  	s30 =	simm.s32 $0x0;
	s0 =	sadd.s32 s1, s0  }
0x23: {  	[tilespmem:s30], [sflag:$0x1] =	stream.linear.gather [hbm4b:s0+s30], $0x1000, $0x38;
	[tilespmem:$0x5400] =	vst v63  }
0x24: {  	_ =	swait.ge [sflag:s18], $0x1000  }
0x25: {  	[sflag:s18] =	ssyncset.done $0x0  }
0x26: {  	s30 =	simm.s32 $0x0;
	[sflag:s18] =	ssyncadd.s32 $0xFFFFF000  }
0x27: {  	v0 =	vld [tilespmem:s30+$0x0];
	_ =	sdelay $0x4  }
0x28: {  	v1 =	vshrl.u32 v0, $0x10;
	v3 =	vand.u32 $0xFF, v0  }
0x29: {  	v2 =	vshrl.u32 v0, $0x8;
	v1 =	vand.u32 $0xFF, v1  }
0x2a: {  	v4 =	vand.u32 $0xFF, v2  }
0x2b: {  	v5 =	vshrl.u32 v0, $0x18;
	_ =	sdelay $0x1  }
0x2c: {  	v2 =	vld.idx.msk [tilespmem:v3+s17+$0x0], $0xffff  }
0x2d: {  	v0 =	vld.idx.msk [tilespmem:v1+s20+$0x0], $0xffff  }
0x2e: {  	v3 =	vld.idx.msk [tilespmem:v4+s19+$0x0], $0xffff  }
0x2f: {  	v1 =	vld.idx.msk [tilespmem:v5+s21+$0x0], $0xffff;
	_ =	sdelay $0x4  }
0x30: {  	v4 =	vadd.f32 v3, v2;
	v5 =	vadd.f32 v1, v0;
	_ =	sdelay $0x1  }
0x31: {  	v4 =	vadd.f32 v5, v4;
	_ =	sdelay $0x1  }
0x32: {  	vm0 =	veq.f32 v4, $0.0e+00  }
0x33: {  	v4 =	vsel vm0, $0x322BCC77, v4  }
0x34: {  	(erf) = vrcp.f32 v4;
	_ =	sdelay $0x3  }
0x35: {  	s31 =	simm.s32 $0x10  }
0x36: {  	v4 =	vld [tilespmem:s31+$0x0];
	_ =	sdelay $0x1  }
0x37: {  	s0 =	simm.s32 $0x80  }
.LBB2_3:
0x38: {  	p0 =	sne.s32 s0, $0x3FC0  }
0x39: {  	v5 =	vpop (erf)  }
0x3a: {  	v6 =	vshrl.u32 v4, $0x10;
	v2 =	vmul.f32 v5, v2;
	v3 =	vmul.f32 v5, v3  }
0x3b: {  	v0 =	vmul.f32 v5, v0;
	v1 =	vmul.f32 v5, v1;
	v6 =	vand.u32 $0xFF, v6  }
0x3c: {  	v5 =	vshrl.u32 v4, $0x8;
	v7 =	vand.u32 $0xFF, v4;
	[tilespmem:s30+$0x1400] =	vst v2  }
0x3d: {  	v5 =	vand.u32 $0xFF, v5;
	[tilespmem:s30+$0x2400] =	vst v3  }
0x3e: {  	v4 =	vshrl.u32 v4, $0x18;
	[tilespmem:s30+$0x3400] =	vst v0  }
0x3f: {  	[tilespmem:s30+$0x4400] =	vst v1;
	s30 =	smov.u32 s31  }
0x40: {  	v0 =	vld.idx.msk [tilespmem:v6+s20+$0x0], $0xffff  }
0x41: {  	v2 =	vld.idx.msk [tilespmem:v7+s17+$0x0], $0xffff  }
0x42: {  	v3 =	vld.idx.msk [tilespmem:v5+s19+$0x0], $0xffff  }
0x43: {  	v1 =	vld.idx.msk [tilespmem:v4+s21+$0x0], $0xffff;
	_ =	sdelay $0x5  }
0x44: {  	v4 =	vadd.f32 v3, v2;
	v5 =	vadd.f32 v1, v0;
	_ =	sdelay $0x1  }
0x45: {  	v4 =	vadd.f32 v5, v4;
	_ =	sdelay $0x1  }
0x46: {  	vm0 =	veq.f32 v4, $0.0e+00  }
0x47: {  	v4 =	vsel vm0, $0x322BCC77, v4  }
0x48: {  	(erf) = vrcp.f32 v4;
	_ =	sdelay $0x2  }
.Ltmp0:
0x49: {  	(pc) =	sbr.rel @p0 .LBB2_3-.Ltmp0, $3  }
0x4a: {  	s31 =	sshra.s32 s0, $0x2  }
0x4b: {  	v4 =	vld [tilespmem:s31+$0x0];
	_ =	sdelay $0x1  }
0x4c: {  	s0 =	sadd.s32 $0x40, s0  }
0x4d: {  	_ = 	snop  }
0x4e: {  	v5 =	vpop (erf)  }
0x4f: {  	v2 =	vmul.f32 v5, v2  }
0x50: {  	v3 =	vmul.f32 v5, v3;
	v57 =	vand.u32 $0xFF, v4  }
0x51: {  	v6 =	vshrl.u32 v4, $0x10;
	v0 =	vmul.f32 v5, v0;
	v59 =	vshrl.u32 v4, $0x18;
	[tilespmem:s30+$0x1400] =	vst v2  }
0x52: {  	v7 =	vshrl.u32 v4, $0x8;
	v1 =	vmul.f32 v5, v1;
	v6 =	vand.u32 $0xFF, v6;
	[tilespmem:s30+$0x2400] =	vst v3  }
0x53: {  	v58 =	vand.u32 $0xFF, v7;
	[tilespmem:s30+$0x3400] =	vst v0  }
0x54: {  	[tilespmem:s30+$0x4400] =	vst v1  }
0x55: {  	v1 =	vld.idx.msk [tilespmem:v57+s17+$0x0], $0xffff  }
0x56: {  	v3 =	vld.idx.msk [tilespmem:v59+s21+$0x0], $0xffff  }
0x57: {  	v0 =	vld.idx.msk [tilespmem:v6+s20+$0x0], $0xffff  }
0x58: {  	v60 =	vld.idx.msk [tilespmem:v58+s19+$0x0], $0xffff;
	_ =	sdelay $0x4  }
0x59: {  	v61 =	vadd.f32 v60, v1;
	v62 =	vadd.f32 v3, v0;
	_ =	sdelay $0x1  }
0x5a: {  	v4 =	vadd.f32 v62, v61;
	_ =	sdelay $0x1  }
0x5b: {  	vm0 =	veq.f32 v4, $0.0e+00  }
0x5c: {  	v4 =	vsel vm0, $0x322BCC77, v4  }
0x5d: {  	(erf) = vrcp.f32 v4;
	_ =	sdelay $0x8  }
0x5e: {  	v4 =	vpop (erf)  }
0x5f: {  	v1 =	vmul.f32 v4, v1  }
0x60: {  	v2 =	vmul.f32 v4, v60  }
0x61: {  	v0 =	vmul.f32 v4, v0;
	[tilespmem:s31+$0x1400] =	vst v1  }
0x62: {  	s0 =	sor.u32 s29, s10;
	v63 =	vmul.f32 v4, v3;
	[tilespmem:s31+$0x2400] =	vst v2  }
0x63: {  	s0 =	sshrl.u32 s0, $0x3;
	[tilespmem:s31+$0x3400] =	vst v0  }
0x64: {  	[tilespmem:s31+$0x4400] =	vst v63;
	s31 =	sadd.s32 s5, s0  }
0x65: {  	[hbm4b:s31+s2] =	stream.linear.scatter [tilespmem:s22], [sflag:$0x1], $0x1000, $0x38;
	[tilespmem:$0x5400] =	vst v63  }
0x66: {  	_ =	swait.ge [sflag:s18], $0x1000  }
0x67: {  	[sflag:s18] =	ssyncset.done $0x0  }
0x68: {  	s30 =	sadd.s32 s0, s11;
	[sflag:s18] =	ssyncadd.s32 $0xFFFFF000  }
0x69: {  	[hbm4b:s30+s2] =	stream.linear.scatter [tilespmem:s23], [sflag:$0x1], $0x1000, $0x38;
	[tilespmem:$0x5400] =	vst v63  }
0x6a: {  	_ =	swait.ge [sflag:s18], $0x1000  }
0x6b: {  	[sflag:s18] =	ssyncset.done $0x0  }
0x6c: {  	s31 =	sadd.s32 s0, s12;
	[sflag:s18] =	ssyncadd.s32 $0xFFFFF000  }
0x6d: {  	[hbm4b:s31+s2] =	stream.linear.scatter [tilespmem:s24], [sflag:$0x1], $0x1000, $0x38;
	[tilespmem:$0x5400] =	vst v63  }
0x6e: {  	s28 =	sadd.s32 $0x1, s28;
	_ =	swait.ge [sflag:s18], $0x1000  }
0x6f: {  	p0 =	sne.s32 s28, $0x10;
	[sflag:s18] =	ssyncset.done $0x0  }
.Ltmp1:
0x70: {  	s0 =	sadd.s32 s0, s13;
	[sflag:s18] =	ssyncadd.s32 $0xFFFFF000;
	(pc) =	sbr.rel @p0 .LBB2_2-.Ltmp1, $4  }
0x71: {  	[hbm4b:s0+s2] =	stream.linear.scatter [tilespmem:s25], [sflag:$0x1], $0x1000, $0x38;
	[tilespmem:$0x5400] =	vst v63  }
0x72: {  	_ =	swait.ge [sflag:s18], $0x1000  }
0x73: {  	[sflag:s18] =	ssyncset.done $0x0  }
0x74: {  	[sflag:s18] =	ssyncadd.s32 $0xFFFFF000  }
0x75: {  	s26 =	sadd.s32 $0x1, s26  }
0x76: {  	p0 =	sne.s32 s26, s14  }
.Ltmp2:
0x77: {  	_ = 	snop;
	(pc) =	sbr.rel @p0 .LBB2_1-.Ltmp2, $1  }
0x78: {  	_ =	sdelay $0x3  }
0x79: {  	_ =	sfence.sel $0x180000  }
0x7a: {  	[bflag:$0x0] =	sbarrier.arrive $0xFFFF  }
0x7b: {  	_ =	strace $0x90000047  }
0x7c: {  	[bflag:$0x2] =	sbarrier.arrive $0xFFFF  }
0x7d: {  	p0 =	sne.s32 s3, $0x0;
	s0 =	rddreg [dreg:$0x2]  }
0x7e: {  	s0 =	sadd.s32 @!p0 $0x100000, s0  }
0x7f: {  	[sflag:s0] =	ssyncadd.tile.s32 @!p0 $0x1;
	_ =	shalt  }
.Lfunc_end2:
_tile_overlayer_lowered:
.L_overlay_start_2:
0x80: {  	(tag) =	ssettag $0x2  }
0x81: {  	s0 =	rddreg [dreg:$0x0];
	s2 =	stileid.u32  }
0x82: {  	s1 =	rddreg [dreg:$0x1];
	p0 =	sne.s32 s2, $0x0  }
0x83: {  	s3 =	rddreg [dreg:$0x2];
	[bflag:$0x3] =	sbarrier.arrive $0xFFFF;
	s2 =	simm.s32 @!p0 $0x1C01  }
0x84: {  	[timem:s3], [sflag:s2] =	dma.local @!p0 [hbm:s0], s1  }
0x85: {  	s0 =	simm.s32 @!p0 $0x1  }
0x86: {  	_ =	swait.ge @!p0 [sflag:s0], s1  }
0x87: {  	s1 =	ssub.s32 @!p0 $0x0, s1;
	[sflag:s0] =	ssyncset.done @!p0 $0x0  }
0x88: {  	[sflag:s0] =	ssyncadd.s32 @!p0 s1  }
0x89: {  	[bflag:$0x3] =	sbarrier.arrive $0xFFFF  }
0x8a: {  	_ =	shalt  }

</sc_bundles>
